<compile_context>
chip_gen: v7x
topology: tpu7x:2x2x1
jax: 0.10.2.dev20260603
libtpu: 0.0.44.dev20260713+nightly
codegen_flags: <defaults>
</compile_context>

<pallas_src>
import functools
import jax
import jax.numpy as jnp
from jax import lax
from jax.experimental import pallas as pl
from jax.experimental.pallas import tpu as pltpu
from jax.experimental.pallas import tpu_sc as plsc

NSEG = 104
EB = 2560

SC_NC = 2
SC_NS = 16
SC_NW = SC_NC * SC_NS
GCH = 80
NBUF = 5


def _sc_gather_body(xe_hbm, h_hbm, t_hbm, outh_hbm, outt_hbm,
                    idxh_a, idxt_a, rowsh_v, rowst_v, *sems):
    sg = sems[:NBUF]
    sw = sems[NBUF:]
    wid = lax.axis_index("s") * SC_NC + lax.axis_index("c")
    per_w = h_hbm.shape[0] // SC_NW
    base = wid * per_w
    pltpu.sync_copy(h_hbm.at[pl.ds(base, per_w)], idxh_a)
    pltpu.sync_copy(t_hbm.at[pl.ds(base, per_w)], idxt_a)

    def grp(g, carry):
        gbase = g * (NBUF * GCH)
        copies = []
        for b in range(NBUF):
            @pl.when(g > 0)
            def _(b=b):
                pltpu.make_async_copy(
                    outh_hbm.at[pl.ds(0, GCH)],
                    rowsh_v.at[pl.ds(b * GCH, GCH)], sw[b]).wait()
                pltpu.make_async_copy(
                    outt_hbm.at[pl.ds(0, GCH)],
                    rowst_v.at[pl.ds(b * GCH, GCH)], sw[b]).wait()

            off = gbase + b * GCH
            cph = pltpu.async_copy(
                xe_hbm.at[idxh_a.at[pl.ds(off, GCH)]],
                rowsh_v.at[pl.ds(b * GCH, GCH)], sg[b])
            cpt = pltpu.async_copy(
                xe_hbm.at[idxt_a.at[pl.ds(off, GCH)]],
                rowst_v.at[pl.ds(b * GCH, GCH)], sg[b])
            copies.append((cph, cpt))
        for b, (cph, cpt) in enumerate(copies):
            cph.wait()
            cpt.wait()
            off = gbase + b * GCH
            pltpu.async_copy(rowsh_v.at[pl.ds(b * GCH, GCH)],
                             outh_hbm.at[pl.ds(base + off, GCH)], sw[b])
            pltpu.async_copy(rowst_v.at[pl.ds(b * GCH, GCH)],
                             outt_hbm.at[pl.ds(base + off, GCH)], sw[b])
        return carry

    lax.fori_loop(0, per_w // (GCH * NBUF), grp, None)
    for b in range(NBUF):
        pltpu.make_async_copy(outh_hbm.at[pl.ds(0, GCH)],
                              rowsh_v.at[pl.ds(b * GCH, GCH)], sw[b]).wait()
        pltpu.make_async_copy(outt_hbm.at[pl.ds(0, GCH)],
                              rowst_v.at[pl.ds(b * GCH, GCH)], sw[b]).wait()


def _sc_gather(x_e, h, t):
    E = h.shape[0]
    E_HID = x_e.shape[1]
    per_w = E // SC_NW
    mesh = plsc.VectorSubcoreMesh(core_axis_name="c", subcore_axis_name="s")
    fn = functools.partial(
        pl.kernel,
        mesh=mesh,
        out_type=[
            jax.ShapeDtypeStruct((E, E_HID), jnp.float32),
            jax.ShapeDtypeStruct((E, E_HID), jnp.float32),
        ],
        scratch_types=[
            pltpu.VMEM((per_w,), jnp.int32),
            pltpu.VMEM((per_w,), jnp.int32),
            pltpu.VMEM((NBUF * GCH, E_HID), jnp.float32),
            pltpu.VMEM((NBUF * GCH, E_HID), jnp.float32),
        ] + [pltpu.SemaphoreType.DMA] * (2 * NBUF),
    )(_sc_gather_body)
    return fn(x_e, h, t)


def _k1_body(rel_ref, xh_ref, xt_ref, u_ref, c_ref, acc_ref):
    xh = xh_ref[...].astype(jnp.bfloat16)
    xt = xt_ref[...].astype(jnp.bfloat16)
    eb = xh.shape[0]
    rel_row = rel_ref[0]
    eh = lax.dot_general(u_ref[0:8], xh, (((1,), (1,)), ((), ())),
                         preferred_element_type=jnp.float32)
    et = lax.dot_general(u_ref[8:16], xt, (((1,), (1,)), ((), ())),
                         preferred_element_type=jnp.float32)
    er = eh + et
    e1 = er[0:1, :] + c_ref[0, 0]
    e2 = er[1:2, :] + c_ref[0, 1]
    z1r = jnp.exp(jnp.where(e1 > 0, e1, 0.01 * e1)).astype(jnp.bfloat16)
    z2r = jnp.exp(jnp.where(e2 > 0, e2, 0.01 * e2)).astype(jnp.bfloat16)
    ohb = (lax.broadcasted_iota(jnp.int32, (NSEG, eb), 0) == rel_row).astype(jnp.bfloat16)
    lhs = jnp.concatenate([ohb, ohb * z1r, ohb * z2r], axis=0)
    ones = jnp.ones((eb, 1), jnp.bfloat16)
    pad = jnp.zeros((eb, 127), jnp.bfloat16)
    rhs = jnp.concatenate([ones, pad, xh, xt], axis=1)
    upd = lax.dot_general(lhs, rhs, (((1,), (0,)), ((), ())),
                          preferred_element_type=jnp.float32)

    @pl.when(pl.program_id(0) == 0)
    def _():
        acc_ref[...] = jnp.zeros_like(acc_ref)

    acc_ref[...] += upd


def _k2_body(acc_ref, wsr_ref, bsr_ref, wh_ref, wt_ref, bsr1_ref, c_out_ref):
    acc = acc_ref[...]
    cnt = acc[0:NSEG, 0:1]
    z1 = acc[NSEG:2 * NSEG, 0:1]
    z2 = acc[2 * NSEG:3 * NSEG, 0:1]
    sh = acc[0:NSEG, 128:256]
    st = acc[0:NSEG, 256:384]
    g1 = acc[NSEG:2 * NSEG, 128:256]
    g2 = acc[2 * NSEG:3 * NSEG, 256:384]
    cntc = jnp.maximum(cnt, 1.0)
    mean_h = sh / cntc
    mean_t = st / cntc
    wsr = wsr_ref[...]
    res = (lax.dot_general(mean_h, wsr[:, :128], (((1,), (1,)), ((), ())), preferred_element_type=jnp.float32)
           + lax.dot_general(mean_t, wsr[:, 128:], (((1,), (1,)), ((), ())), preferred_element_type=jnp.float32)
           + bsr_ref[...])
    gh1 = jnp.where(z1 > 0, g1 / jnp.maximum(z1, 1e-30), 0.0)
    gt2 = jnp.where(z2 > 0, g2 / jnp.maximum(z2, 1e-30), 0.0)
    xr1 = lax.dot_general(gh1, wh_ref[...], (((1,), (1,)), ((), ())), preferred_element_type=jnp.float32)
    xr2 = lax.dot_general(gt2, wt_ref[...], (((1,), (1,)), ((), ())), preferred_element_type=jnp.float32)
    mask = (cnt > 0).astype(jnp.float32)
    c_out_ref[...] = xr1 + xr2 + res * (1.0 + mask) + bsr1_ref[...]


def _k3_body(rel_ref, xh_ref, xt_ref, c_ref, a_ref, b_ref, out_ref):
    rel_row = rel_ref[0]
    eb = xh_ref.shape[0]
    onehot_t = (lax.broadcasted_iota(jnp.int32, (NSEG, eb), 0) == rel_row).astype(jnp.bfloat16)
    cbf = c_ref[...].astype(jnp.bfloat16)
    crow = lax.dot_general(onehot_t, cbf, (((0,), (0,)), ((), ())), preferred_element_type=jnp.float32)
    ta = lax.dot_general(xt_ref[...].astype(jnp.bfloat16), a_ref[...], (((1,), (1,)), ((), ())), preferred_element_type=jnp.float32)
    hb = lax.dot_general(xh_ref[...].astype(jnp.bfloat16), b_ref[...], (((1,), (1,)), ((), ())), preferred_element_type=jnp.float32)
    out_ref[...] = crow + ta + hb


def kernel(x_e, edge_index, rel, rel_size, W_ah1, W_ah2, W_at1, W_at2, W_ah3, W_at3, W_h, W_t, W_sr, b_sr, W_sr1, b_sr1):
    N, E_HID = x_e.shape
    E = rel.shape[0]
    h = edge_index[0]
    t = edge_index[1]
    A = W_sr1[:, :E_HID]
    B = W_sr1[:, E_HID:]
    a1 = W_ah1.reshape(-1)
    a2 = W_ah2.reshape(-1)
    t1 = W_at1.reshape(-1)
    t2 = W_at2.reshape(-1)
    u1h = W_h.T @ (a1 + a2) + B.T @ a2
    u1t = (A.T + W_t.T) @ a2
    u2h = (W_h.T + B.T) @ t1
    u2t = A.T @ t1 + W_t.T @ (t1 + t2)
    uh = jnp.pad(jnp.stack([u1h, u2h], axis=0), ((0, 6), (0, 0)))
    ut = jnp.pad(jnp.stack([u1t, u2t], axis=0), ((0, 6), (0, 0)))
    u = jnp.concatenate([uh, ut], axis=0).astype(jnp.bfloat16)
    c12 = jnp.stack([b_sr1 @ a2, b_sr1 @ t1]).reshape(1, 2)

    xh, xt = _sc_gather(x_e, h, t)

    nblk = E // EB
    rel3 = rel.reshape(nblk, 1, EB)
    acc = pl.pallas_call(
        _k1_body,
        grid=(nblk,),
        in_specs=[
            pl.BlockSpec((1, 1, EB), lambda i: (i, 0, 0)),
            pl.BlockSpec((EB, E_HID), lambda i: (i, 0)),
            pl.BlockSpec((EB, E_HID), lambda i: (i, 0)),
            pl.BlockSpec((16, E_HID), lambda i: (0, 0)),
            pl.BlockSpec((1, 2), lambda i: (0, 0)),
        ],
        out_specs=pl.BlockSpec((3 * NSEG, 384), lambda i: (0, 0)),
        out_shape=jax.ShapeDtypeStruct((3 * NSEG, 384), jnp.float32),
    )(rel3, xh, xt, u, c12)

    c_tab = pl.pallas_call(
        _k2_body,
        in_specs=[pl.BlockSpec(s.shape, lambda: tuple(0 for _ in s.shape)) for s in (
            jax.ShapeDtypeStruct((3 * NSEG, 384), jnp.float32),
            jax.ShapeDtypeStruct((E_HID, 2 * E_HID), jnp.float32),
            jax.ShapeDtypeStruct((1, E_HID), jnp.float32),
            jax.ShapeDtypeStruct((E_HID, E_HID), jnp.float32),
            jax.ShapeDtypeStruct((E_HID, E_HID), jnp.float32),
            jax.ShapeDtypeStruct((1, E_HID), jnp.float32),
        )],
        out_specs=pl.BlockSpec((NSEG, E_HID), lambda: (0, 0)),
        out_shape=jax.ShapeDtypeStruct((NSEG, E_HID), jnp.float32),
    )(acc, W_sr, b_sr.reshape(1, -1), W_h, W_t, b_sr1.reshape(1, -1))

    out = pl.pallas_call(
        _k3_body,
        grid=(nblk,),
        in_specs=[
            pl.BlockSpec((1, 1, EB), lambda i: (i, 0, 0)),
            pl.BlockSpec((EB, E_HID), lambda i: (i, 0)),
            pl.BlockSpec((EB, E_HID), lambda i: (i, 0)),
            pl.BlockSpec((NSEG, E_HID), lambda i: (0, 0)),
            pl.BlockSpec((E_HID, E_HID), lambda i: (0, 0)),
            pl.BlockSpec((E_HID, E_HID), lambda i: (0, 0)),
        ],
        out_specs=pl.BlockSpec((EB, E_HID), lambda i: (i, 0)),
        out_shape=jax.ShapeDtypeStruct((E, E_HID), jnp.float32),
    )(rel3, xh, xt, c_tab, A.astype(jnp.bfloat16), B.astype(jnp.bfloat16))
    return out

# --- scband reference (transcript-rebuilt; emitter-appended) ---
"""Pipeline reference for scband-gat-e-to-r-78950088835240 (READ-ONLY COPY).

The authoritative reference and input builder live on the scoring server;
editing this copy changes nothing except your own understanding.
"""

import jax, jax.numpy as jnp
import numpy as np

N = 10000
E = 320000
E_HID = 128
R_HID = 128
NUM_REL = 100


def setup_inputs(seed: int = 0) -> dict:
    key = jax.random.key(seed)
    ks = jax.random.split(key, 16)
    inp = {}
    inp["x_e"] = jax.random.normal(ks[0], (N, E_HID), dtype=jnp.float32)
    inp["edge_index"] = jax.random.randint(ks[1], (2, E), 0, N, dtype=jnp.int32)
    inp["rel"] = jax.random.randint(ks[2], (E,), 0, NUM_REL, dtype=jnp.int32)
    inp["rel_size"] = jnp.arange(E, dtype=jnp.int32)
    s1 = 1.0 / np.sqrt(R_HID)
    s2 = 1.0 / np.sqrt(E_HID)
    s3 = 1.0 / np.sqrt(2 * E_HID)
    inp["W_ah1"] = jax.random.uniform(ks[3], (1, R_HID), jnp.float32, -s1, s1)
    inp["W_ah2"] = jax.random.uniform(ks[4], (1, R_HID), jnp.float32, -s1, s1)
    inp["W_at1"] = jax.random.uniform(ks[5], (1, R_HID), jnp.float32, -s1, s1)
    inp["W_at2"] = jax.random.uniform(ks[6], (1, R_HID), jnp.float32, -s1, s1)
    inp["W_ah3"] = jax.random.uniform(ks[7], (1, R_HID), jnp.float32, -s1, s1)
    inp["W_at3"] = jax.random.uniform(ks[8], (1, R_HID), jnp.float32, -s1, s1)
    inp["W_h"] = jax.random.uniform(ks[9], (R_HID, E_HID), jnp.float32, -s2, s2)
    inp["W_t"] = jax.random.uniform(ks[10], (R_HID, E_HID), jnp.float32, -s2, s2)
    inp["W_sr"] = jax.random.uniform(ks[11], (R_HID, 2 * E_HID), jnp.float32, -s3, s3)
    inp["b_sr"] = jax.random.uniform(ks[12], (R_HID,), jnp.float32, -s3, s3)
    inp["W_sr1"] = jax.random.uniform(ks[13], (R_HID, 2 * E_HID), jnp.float32, -s3, s3)
    inp["b_sr1"] = jax.random.uniform(ks[14], (R_HID,), jnp.float32, -s3, s3)
    return inp


def _seg_softmax(e, rel, num_segments):
    m = jax.ops.segment_max(e, rel, num_segments=num_segments)
    ex = jnp.exp(e - m[rel])
    s = jax.ops.segment_sum(ex, rel, num_segments=num_segments)
    return ex / s[rel]


def reference(x_e, edge_index, rel, rel_size, W_ah1, W_ah2, W_at1, W_at2, W_ah3, W_at3, W_h, W_t, W_sr, b_sr, W_sr1, b_sr1):
    h = edge_index[0]
    t = edge_index[1]
    xh = jnp.take(x_e, h, axis=0)
    xt = jnp.take(x_e, t, axis=0)
    # x_res before the per-relation overwrite loop
    x_cat = jnp.concatenate([xt, xh], axis=1)
    x_res2 = x_cat @ W_sr1.T + b_sr1
    # per-relation means (the unique-loop overwrites every row since every edge has a relation)
    ones = jnp.ones((rel.shape[0],), jnp.float32)
    cnt = jax.ops.segment_sum(ones, rel, num_segments=NUM_REL)
    cnt = jnp.maximum(cnt, 1.0)
    mean_h = jax.ops.segment_sum(xh, rel, num_segments=NUM_REL) / cnt[:, None]
    mean_t = jax.ops.segment_sum(xt, rel, num_segments=NUM_REL) / cnt[:, None]
    x_res_loop = jnp.concatenate([mean_h, mean_t], axis=1)[rel]
    x_res = x_res_loop @ W_sr.T + b_sr
    x_r_h = xh @ W_h.T
    x_r_t = xt @ W_t.T
    s = x_r_h + x_res2 + x_r_t
    e1 = x_r_h @ W_ah1.reshape(-1) + s @ W_ah2.reshape(-1)
    e2 = s @ W_at1.reshape(-1) + x_r_t @ W_at2.reshape(-1)
    e3 = s @ W_ah3.reshape(-1) + x_res @ W_at3.reshape(-1)
    lrelu = lambda v: jax.nn.leaky_relu(v, 0.01)
    # spmm with rows=rel, cols=rel_size (=arange(E)): relation-segment weighted sums
    a1 = _seg_softmax(lrelu(e1), rel, NUM_REL)
    x_r_h1 = jax.ops.segment_sum(a1[:, None] * jnp.take(x_r_h, rel_size, axis=0), rel, num_segments=NUM_REL)
    a2 = _seg_softmax(lrelu(e2), rel, NUM_REL)
    x_r_t1 = jax.ops.segment_sum(a2[:, None] * jnp.take(x_r_t, rel_size, axis=0), rel, num_segments=NUM_REL)
    a3 = _seg_softmax(lrelu(e3), rel, NUM_REL)
    x_rres = jax.ops.segment_sum(a3[:, None] * jnp.take(x_res, rel_size, axis=0), rel, num_segments=NUM_REL)
    x_res1 = x_r_h1 + x_r_t1 + x_rres
    return x_res1[rel] + x_res + x_res2

if __name__ == "__main__":
    import jax
    _d = setup_inputs()
    print(jax.jit(kernel)(*tuple(_d.values())))

</pallas_src>

<mosaic_0001>
#map = affine_map<(d0, d1) -> (0, 0)>
#map1 = affine_map<(d0, d1) -> (0)>
module attributes {stable_mosaic.version = 14 : i64} {
  func.func @_sc_gather_body(%arg0: i32, %arg1: i32, %arg2: memref<10000x128xf32, #tpu.memory_space<hbm>>, %arg3: memref<320000xi32, #tpu.memory_space<hbm>>, %arg4: memref<320000xi32, #tpu.memory_space<hbm>>, %arg5: memref<320000x128xf32, #tpu.memory_space<hbm>>, %arg6: memref<320000x128xf32, #tpu.memory_space<hbm>>, %arg7: memref<10000xi32, #tpu.memory_space<vmem>>, %arg8: memref<10000xi32, #tpu.memory_space<vmem>>, %arg9: memref<400x128xf32, #tpu.memory_space<vmem>>, %arg10: memref<400x128xf32, #tpu.memory_space<vmem>>, %arg11: memref<!tpu.dma_semaphore, #tpu.memory_space<semaphore_mem>>, %arg12: memref<!tpu.dma_semaphore, #tpu.memory_space<semaphore_mem>>, %arg13: memref<!tpu.dma_semaphore, #tpu.memory_space<semaphore_mem>>, %arg14: memref<!tpu.dma_semaphore, #tpu.memory_space<semaphore_mem>>, %arg15: memref<!tpu.dma_semaphore, #tpu.memory_space<semaphore_mem>>, %arg16: memref<!tpu.dma_semaphore, #tpu.memory_space<semaphore_mem>>, %arg17: memref<!tpu.dma_semaphore, #tpu.memory_space<semaphore_mem>>, %arg18: memref<!tpu.dma_semaphore, #tpu.memory_space<semaphore_mem>>, %arg19: memref<!tpu.dma_semaphore, #tpu.memory_space<semaphore_mem>>, %arg20: memref<!tpu.dma_semaphore, #tpu.memory_space<semaphore_mem>>) attributes {dimension_semantics = [#tpu.dimension_semantics<core_parallel>, #tpu.dimension_semantics<subcore_parallel>], iteration_bounds = array<i64: 2, 16>, scalar_prefetch = 0 : i64, scratch_operands = 14 : i64, tpu.core_type = #tpu.core_type<sc_vector_subcore>, window_params = [{transform_indices = #map}, {transform_indices = #map1}, {transform_indices = #map1}, {transform_indices = #map}, {transform_indices = #map}]} {
    %mul3A = arith.constant 2 : i32
    %mul3A_0 = arith.muli %arg1, %mul3A : i32
    %add3A = arith.addi %mul3A_0, %arg0 : i32
    %mul3A_1 = arith.constant 10000 : i32
    %mul3A_2 = arith.muli %add3A, %mul3A_1 : i32
    "tpu.region"() ({
      %run_scoped3A = tpu.sem_alloc : memref<!tpu.dma_semaphore, #tpu.memory_space<semaphore_mem>>
      %dma_start3A = tpu.memref_slice %arg3[%mul3A_2] : memref<320000xi32, #tpu.memory_space<hbm>> -> memref<10000xi32, #tpu.memory_space<hbm>>
      %dma_start3A_126 = tpu.memref_slice %arg3[%mul3A_2] : memref<320000xi32, #tpu.memory_space<hbm>> -> memref<10000xi32, #tpu.memory_space<hbm>>
      tpu.enqueue_dma source(%dma_start3A_126 : memref<10000xi32, #tpu.memory_space<hbm>>) target(%arg7 : memref<10000xi32, #tpu.memory_space<vmem>>) target_semaphore(%run_scoped3A : memref<!tpu.dma_semaphore, #tpu.memory_space<semaphore_mem>>)
      %dma_wait3A_127 = tpu.memref_slice %arg3[%mul3A_2] : memref<320000xi32, #tpu.memory_space<hbm>> -> memref<10000xi32, #tpu.memory_space<hbm>>
      %dma_wait3A_128 = tpu.memref_slice %arg3[%mul3A_2] : memref<320000xi32, #tpu.memory_space<hbm>> -> memref<10000xi32, #tpu.memory_space<hbm>>
      tpu.wait_dma2 semaphore(%run_scoped3A : memref<!tpu.dma_semaphore, #tpu.memory_space<semaphore_mem>>) src(%dma_wait3A_128 : memref<10000xi32, #tpu.memory_space<hbm>>) dst(%arg7 : memref<10000xi32, #tpu.memory_space<vmem>>)
      tpu.yield
    }) : () -> ()
    "tpu.region"() ({
      %run_scoped3A = tpu.sem_alloc : memref<!tpu.dma_semaphore, #tpu.memory_space<semaphore_mem>>
      %dma_start3A = tpu.memref_slice %arg4[%mul3A_2] : memref<320000xi32, #tpu.memory_space<hbm>> -> memref<10000xi32, #tpu.memory_space<hbm>>
      %dma_start3A_126 = tpu.memref_slice %arg4[%mul3A_2] : memref<320000xi32, #tpu.memory_space<hbm>> -> memref<10000xi32, #tpu.memory_space<hbm>>
      tpu.enqueue_dma source(%dma_start3A_126 : memref<10000xi32, #tpu.memory_space<hbm>>) target(%arg8 : memref<10000xi32, #tpu.memory_space<vmem>>) target_semaphore(%run_scoped3A : memref<!tpu.dma_semaphore, #tpu.memory_space<semaphore_mem>>)
      %dma_wait3A_127 = tpu.memref_slice %arg4[%mul3A_2] : memref<320000xi32, #tpu.memory_space<hbm>> -> memref<10000xi32, #tpu.memory_space<hbm>>
      %dma_wait3A_128 = tpu.memref_slice %arg4[%mul3A_2] : memref<320000xi32, #tpu.memory_space<hbm>> -> memref<10000xi32, #tpu.memory_space<hbm>>
      tpu.wait_dma2 semaphore(%run_scoped3A : memref<!tpu.dma_semaphore, #tpu.memory_space<semaphore_mem>>) src(%dma_wait3A_128 : memref<10000xi32, #tpu.memory_space<hbm>>) dst(%arg8 : memref<10000xi32, #tpu.memory_space<vmem>>)
      tpu.yield
    }) : () -> ()
    %scan3A = arith.constant 0 : i32
    %scan3A_3 = arith.constant 25 : i32
    %scan3A_4 = arith.addi %scan3A, %scan3A_3 : i32
    %scan3A_5 = arith.constant 1 : i32
    scf.for %scan3A_126 = %scan3A to %scan3A_4 step %scan3A_5  : i32 {
      %mul3A_127 = arith.constant 400 : i32
      %mul3A_128 = arith.muli %scan3A_126, %mul3A_127 : i32
      %gt3A = arith.constant 0 : i32
      %gt3A_129 = arith.cmpi sgt, %scan3A_126, %gt3A : i32
      %convert_element_type3A = arith.extui %gt3A_129 : i1 to i32
      %cond3A = arith.constant 0 : i32
      %cond3A_130 = arith.cmpi ne, %convert_element_type3A, %cond3A : i32
      scf.if %cond3A_130 {
        %dma_wait3A_420 = arith.constant 0 : i32
        %dma_wait3A_421 = arith.constant 0 : i32
        %dma_wait3A_422 = tpu.memref_slice %arg9[%dma_wait3A_420, %dma_wait3A_421] : memref<400x128xf32, #tpu.memory_space<vmem>> -> memref<80x128xf32, #tpu.memory_space<vmem>>
        %dma_wait3A_423 = arith.constant 0 : i32
        %dma_wait3A_424 = arith.constant 0 : i32
        %dma_wait3A_425 = tpu.memref_slice %arg5[%dma_wait3A_423, %dma_wait3A_424] : memref<320000x128xf32, #tpu.memory_space<hbm>> -> memref<80x128xf32, #tpu.memory_space<hbm>>
        %dma_wait3A_426 = arith.constant 0 : i32
        %dma_wait3A_427 = arith.constant 0 : i32
        %dma_wait3A_428 = tpu.memref_slice %arg9[%dma_wait3A_426, %dma_wait3A_427] : memref<400x128xf32, #tpu.memory_space<vmem>> -> memref<80x128xf32, #tpu.memory_space<vmem>>
        %dma_wait3A_429 = arith.constant 0 : i32
        %dma_wait3A_430 = arith.constant 0 : i32
        %dma_wait3A_431 = tpu.memref_slice %arg5[%dma_wait3A_429, %dma_wait3A_430] : memref<320000x128xf32, #tpu.memory_space<hbm>> -> memref<80x128xf32, #tpu.memory_space<hbm>>
        tpu.wait_dma2 semaphore(%arg16 : memref<!tpu.dma_semaphore, #tpu.memory_space<semaphore_mem>>) src(%dma_wait3A_431 : memref<80x128xf32, #tpu.memory_space<hbm>>) dst(%dma_wait3A_428 : memref<80x128xf32, #tpu.memory_space<vmem>>)
        %dma_wait3A_432 = arith.constant 0 : i32
        %dma_wait3A_433 = arith.constant 0 : i32
        %dma_wait3A_434 = tpu.memref_slice %arg10[%dma_wait3A_432, %dma_wait3A_433] : memref<400x128xf32, #tpu.memory_space<vmem>> -> memref<80x128xf32, #tpu.memory_space<vmem>>
        %dma_wait3A_435 = arith.constant 0 : i32
        %dma_wait3A_436 = arith.constant 0 : i32
        %dma_wait3A_437 = tpu.memref_slice %arg6[%dma_wait3A_435, %dma_wait3A_436] : memref<320000x128xf32, #tpu.memory_space<hbm>> -> memref<80x128xf32, #tpu.memory_space<hbm>>
        %dma_wait3A_438 = arith.constant 0 : i32
        %dma_wait3A_439 = arith.constant 0 : i32
        %dma_wait3A_440 = tpu.memref_slice %arg10[%dma_wait3A_438, %dma_wait3A_439] : memref<400x128xf32, #tpu.memory_space<vmem>> -> memref<80x128xf32, #tpu.memory_space<vmem>>
        %dma_wait3A_441 = arith.constant 0 : i32
        %dma_wait3A_442 = arith.constant 0 : i32
        %dma_wait3A_443 = tpu.memref_slice %arg6[%dma_wait3A_441, %dma_wait3A_442] : memref<320000x128xf32, #tpu.memory_space<hbm>> -> memref<80x128xf32, #tpu.memory_space<hbm>>
        tpu.wait_dma2 semaphore(%arg16 : memref<!tpu.dma_semaphore, #tpu.memory_space<semaphore_mem>>) src(%dma_wait3A_443 : memref<80x128xf32, #tpu.memory_space<hbm>>) dst(%dma_wait3A_440 : memref<80x128xf32, #tpu.memory_space<vmem>>)
      } else {
      }
      %add3A_131 = arith.constant 0 : i32
      %add3A_132 = arith.addi %mul3A_128, %add3A_131 : i32
      %dma_start3A = arith.constant 0 : i32
      %dma_start3A_133 = arith.constant 0 : i32
      %dma_start3A_134 = tpu.memref_slice %arg9[%dma_start3A, %dma_start3A_133] : memref<400x128xf32, #tpu.memory_space<vmem>> -> memref<80x128xf32, #tpu.memory_space<vmem>>
      %dma_start3A_135 = tpu.memref_slice %arg7[%add3A_132] : memref<10000xi32, #tpu.memory_space<vmem>> -> memref<80xi32, #tpu.memory_space<vmem>>
      %dma_start3A_136 = arith.constant 0 : i32
      %dma_start3A_137 = arith.constant 0 : i32
      %dma_start3A_138 = tpu.memref_slice %arg2[%dma_start3A_136, %dma_start3A_137] : memref<10000x128xf32, #tpu.memory_space<hbm>> -> memref<10000x128xf32, #tpu.memory_space<hbm>>
      tpu.enqueue_indirect_dma source(%dma_start3A_138 : memref<10000x128xf32, #tpu.memory_space<hbm>>) target(%dma_start3A_134 : memref<80x128xf32, #tpu.memory_space<vmem>>) offsets(%dma_start3A_135 : memref<80xi32, #tpu.memory_space<vmem>>) semaphore(%arg11 : memref<!tpu.dma_semaphore, #tpu.memory_space<semaphore_mem>>)
      %dma_start3A_139 = arith.constant 0 : i32
      %dma_start3A_140 = arith.constant 0 : i32
      %dma_start3A_141 = tpu.memref_slice %arg10[%dma_start3A_139, %dma_start3A_140] : memref<400x128xf32, #tpu.memory_space<vmem>> -> memref<80x128xf32, #tpu.memory_space<vmem>>
      %dma_start3A_142 = tpu.memref_slice %arg8[%add3A_132] : memref<10000xi32, #tpu.memory_space<vmem>> -> memref<80xi32, #tpu.memory_space<vmem>>
      %dma_start3A_143 = arith.constant 0 : i32
      %dma_start3A_144 = arith.constant 0 : i32
      %dma_start3A_145 = tpu.memref_slice %arg2[%dma_start3A_143, %dma_start3A_144] : memref<10000x128xf32, #tpu.memory_space<hbm>> -> memref<10000x128xf32, #tpu.memory_space<hbm>>
      tpu.enqueue_indirect_dma source(%dma_start3A_145 : memref<10000x128xf32, #tpu.memory_space<hbm>>) target(%dma_start3A_141 : memref<80x128xf32, #tpu.memory_space<vmem>>) offsets(%dma_start3A_142 : memref<80xi32, #tpu.memory_space<vmem>>) semaphore(%arg11 : memref<!tpu.dma_semaphore, #tpu.memory_space<semaphore_mem>>)
      %gt3A_146 = arith.constant 0 : i32
      %gt3A_147 = arith.cmpi sgt, %scan3A_126, %gt3A_146 : i32
      %convert_element_type3A_148 = arith.extui %gt3A_147 : i1 to i32
      %cond3A_149 = arith.constant 0 : i32
      %cond3A_150 = arith.cmpi ne, %convert_element_type3A_148, %cond3A_149 : i32
      scf.if %cond3A_150 {
        %dma_wait3A_420 = arith.constant 80 : i32
        %dma_wait3A_421 = arith.constant 0 : i32
        %dma_wait3A_422 = tpu.memref_slice %arg9[%dma_wait3A_420, %dma_wait3A_421] : memref<400x128xf32, #tpu.memory_space<vmem>> -> memref<80x128xf32, #tpu.memory_space<vmem>>
        %dma_wait3A_423 = arith.constant 0 : i32
        %dma_wait3A_424 = arith.constant 0 : i32
        %dma_wait3A_425 = tpu.memref_slice %arg5[%dma_wait3A_423, %dma_wait3A_424] : memref<320000x128xf32, #tpu.memory_space<hbm>> -> memref<80x128xf32, #tpu.memory_space<hbm>>
        %dma_wait3A_426 = arith.constant 80 : i32
        %dma_wait3A_427 = arith.constant 0 : i32
        %dma_wait3A_428 = tpu.memref_slice %arg9[%dma_wait3A_426, %dma_wait3A_427] : memref<400x128xf32, #tpu.memory_space<vmem>> -> memref<80x128xf32, #tpu.memory_space<vmem>>
        %dma_wait3A_429 = arith.constant 0 : i32
        %dma_wait3A_430 = arith.constant 0 : i32
        %dma_wait3A_431 = tpu.memref_slice %arg5[%dma_wait3A_429, %dma_wait3A_430] : memref<320000x128xf32, #tpu.memory_space<hbm>> -> memref<80x128xf32, #tpu.memory_space<hbm>>
        tpu.wait_dma2 semaphore(%arg17 : memref<!tpu.dma_semaphore, #tpu.memory_space<semaphore_mem>>) src(%dma_wait3A_431 : memref<80x128xf32, #tpu.memory_space<hbm>>) dst(%dma_wait3A_428 : memref<80x128xf32, #tpu.memory_space<vmem>>)
        %dma_wait3A_432 = arith.constant 80 : i32
        %dma_wait3A_433 = arith.constant 0 : i32
        %dma_wait3A_434 = tpu.memref_slice %arg10[%dma_wait3A_432, %dma_wait3A_433] : memref<400x128xf32, #tpu.memory_space<vmem>> -> memref<80x128xf32, #tpu.memory_space<vmem>>
        %dma_wait3A_435 = arith.constant 0 : i32
        %dma_wait3A_436 = arith.constant 0 : i32
        %dma_wait3A_437 = tpu.memref_slice %arg6[%dma_wait3A_435, %dma_wait3A_436] : memref<320000x128xf32, #tpu.memory_space<hbm>> -> memref<80x128xf32, #tpu.memory_space<hbm>>
        %dma_wait3A_438 = arith.constant 80 : i32
        %dma_wait3A_439 = arith.constant 0 : i32
        %dma_wait3A_440 = tpu.memref_slice %arg10[%dma_wait3A_438, %dma_wait3A_439] : memref<400x128xf32, #tpu.memory_space<vmem>> -> memref<80x128xf32, #tpu.memory_space<vmem>>
        %dma_wait3A_441 = arith.constant 0 : i32
        %dma_wait3A_442 = arith.constant 0 : i32
        %dma_wait3A_443 = tpu.memref_slice %arg6[%dma_wait3A_441, %dma_wait3A_442] : memref<320000x128xf32, #tpu.memory_space<hbm>> -> memref<80x128xf32, #tpu.memory_space<hbm>>
        tpu.wait_dma2 semaphore(%arg17 : memref<!tpu.dma_semaphore, #tpu.memory_space<semaphore_mem>>) src(%dma_wait3A_443 : memref<80x128xf32, #tpu.memory_space<hbm>>) dst(%dma_wait3A_440 : memref<80x128xf32, #tpu.memory_space<vmem>>)
      } else {
      }
      %add3A_151 = arith.constant 80 : i32
      %add3A_152 = arith.addi %mul3A_128, %add3A_151 : i32
      %dma_start3A_153 = arith.constant 80 : i32
      %dma_start3A_154 = arith.constant 0 : i32
      %dma_start3A_155 = tpu.memref_slice %arg9[%dma_start3A_153, %dma_start3A_154] : memref<400x128xf32, #tpu.memory_space<vmem>> -> memref<80x128xf32, #tpu.memory_space<vmem>>
      %dma_start3A_156 = tpu.memref_slice %arg7[%add3A_152] : memref<10000xi32, #tpu.memory_space<vmem>> -> memref<80xi32, #tpu.memory_space<vmem>>
      %dma_start3A_157 = arith.constant 0 : i32
      %dma_start3A_158 = arith.constant 0 : i32
      %dma_start3A_159 = tpu.memref_slice %arg2[%dma_start3A_157, %dma_start3A_158] : memref<10000x128xf32, #tpu.memory_space<hbm>> -> memref<10000x128xf32, #tpu.memory_space<hbm>>
      tpu.enqueue_indirect_dma source(%dma_start3A_159 : memref<10000x128xf32, #tpu.memory_space<hbm>>) target(%dma_start3A_155 : memref<80x128xf32, #tpu.memory_space<vmem>>) offsets(%dma_start3A_156 : memref<80xi32, #tpu.memory_space<vmem>>) semaphore(%arg12 : memref<!tpu.dma_semaphore, #tpu.memory_space<semaphore_mem>>)
      %dma_start3A_160 = arith.constant 80 : i32
      %dma_start3A_161 = arith.constant 0 : i32
      %dma_start3A_162 = tpu.memref_slice %arg10[%dma_start3A_160, %dma_start3A_161] : memref<400x128xf32, #tpu.memory_space<vmem>> -> memref<80x128xf32, #tpu.memory_space<vmem>>
      %dma_start3A_163 = tpu.memref_slice %arg8[%add3A_152] : memref<10000xi32, #tpu.memory_space<vmem>> -> memref<80xi32, #tpu.memory_space<vmem>>
      %dma_start3A_164 = arith.constant 0 : i32
      %dma_start3A_165 = arith.constant 0 : i32
      %dma_start3A_166 = tpu.memref_slice %arg2[%dma_start3A_164, %dma_start3A_165] : memref<10000x128xf32, #tpu.memory_space<hbm>> -> memref<10000x128xf32, #tpu.memory_space<hbm>>
      tpu.enqueue_indirect_dma source(%dma_start3A_166 : memref<10000x128xf32, #tpu.memory_space<hbm>>) target(%dma_start3A_162 : memref<80x128xf32, #tpu.memory_space<vmem>>) offsets(%dma_start3A_163 : memref<80xi32, #tpu.memory_space<vmem>>) semaphore(%arg12 : memref<!tpu.dma_semaphore, #tpu.memory_space<semaphore_mem>>)
      %gt3A_167 = arith.constant 0 : i32
      %gt3A_168 = arith.cmpi sgt, %scan3A_126, %gt3A_167 : i32
      %convert_element_type3A_169 = arith.extui %gt3A_168 : i1 to i32
      %cond3A_170 = arith.constant 0 : i32
      %cond3A_171 = arith.cmpi ne, %convert_element_type3A_169, %cond3A_170 : i32
      scf.if %cond3A_171 {
        %dma_wait3A_420 = arith.constant 160 : i32
        %dma_wait3A_421 = arith.constant 0 : i32
        %dma_wait3A_422 = tpu.memref_slice %arg9[%dma_wait3A_420, %dma_wait3A_421] : memref<400x128xf32, #tpu.memory_space<vmem>> -> memref<80x128xf32, #tpu.memory_space<vmem>>
        %dma_wait3A_423 = arith.constant 0 : i32
        %dma_wait3A_424 = arith.constant 0 : i32
        %dma_wait3A_425 = tpu.memref_slice %arg5[%dma_wait3A_423, %dma_wait3A_424] : memref<320000x128xf32, #tpu.memory_space<hbm>> -> memref<80x128xf32, #tpu.memory_space<hbm>>
        %dma_wait3A_426 = arith.constant 160 : i32
        %dma_wait3A_427 = arith.constant 0 : i32
        %dma_wait3A_428 = tpu.memref_slice %arg9[%dma_wait3A_426, %dma_wait3A_427] : memref<400x128xf32, #tpu.memory_space<vmem>> -> memref<80x128xf32, #tpu.memory_space<vmem>>
        %dma_wait3A_429 = arith.constant 0 : i32
        %dma_wait3A_430 = arith.constant 0 : i32
        %dma_wait3A_431 = tpu.memref_slice %arg5[%dma_wait3A_429, %dma_wait3A_430] : memref<320000x128xf32, #tpu.memory_space<hbm>> -> memref<80x128xf32, #tpu.memory_space<hbm>>
        tpu.wait_dma2 semaphore(%arg18 : memref<!tpu.dma_semaphore, #tpu.memory_space<semaphore_mem>>) src(%dma_wait3A_431 : memref<80x128xf32, #tpu.memory_space<hbm>>) dst(%dma_wait3A_428 : memref<80x128xf32, #tpu.memory_space<vmem>>)
        %dma_wait3A_432 = arith.constant 160 : i32
        %dma_wait3A_433 = arith.constant 0 : i32
        %dma_wait3A_434 = tpu.memref_slice %arg10[%dma_wait3A_432, %dma_wait3A_433] : memref<400x128xf32, #tpu.memory_space<vmem>> -> memref<80x128xf32, #tpu.memory_space<vmem>>
        %dma_wait3A_435 = arith.constant 0 : i32
        %dma_wait3A_436 = arith.constant 0 : i32
        %dma_wait3A_437 = tpu.memref_slice %arg6[%dma_wait3A_435, %dma_wait3A_436] : memref<320000x128xf32, #tpu.memory_space<hbm>> -> memref<80x128xf32, #tpu.memory_space<hbm>>
        %dma_wait3A_438 = arith.constant 160 : i32
        %dma_wait3A_439 = arith.constant 0 : i32
        %dma_wait3A_440 = tpu.memref_slice %arg10[%dma_wait3A_438, %dma_wait3A_439] : memref<400x128xf32, #tpu.memory_space<vmem>> -> memref<80x128xf32, #tpu.memory_space<vmem>>
        %dma_wait3A_441 = arith.constant 0 : i32
        %dma_wait3A_442 = arith.constant 0 : i32
        %dma_wait3A_443 = tpu.memref_slice %arg6[%dma_wait3A_441, %dma_wait3A_442] : memref<320000x128xf32, #tpu.memory_space<hbm>> -> memref<80x128xf32, #tpu.memory_space<hbm>>
        tpu.wait_dma2 semaphore(%arg18 : memref<!tpu.dma_semaphore, #tpu.memory_space<semaphore_mem>>) src(%dma_wait3A_443 : memref<80x128xf32, #tpu.memory_space<hbm>>) dst(%dma_wait3A_440 : memref<80x128xf32, #tpu.memory_space<vmem>>)
      } else {
      }
      %add3A_172 = arith.constant 160 : i32
      %add3A_173 = arith.addi %mul3A_128, %add3A_172 : i32
      %dma_start3A_174 = arith.constant 160 : i32
      %dma_start3A_175 = arith.constant 0 : i32
      %dma_start3A_176 = tpu.memref_slice %arg9[%dma_start3A_174, %dma_start3A_175] : memref<400x128xf32, #tpu.memory_space<vmem>> -> memref<80x128xf32, #tpu.memory_space<vmem>>
      %dma_start3A_177 = tpu.memref_slice %arg7[%add3A_173] : memref<10000xi32, #tpu.memory_space<vmem>> -> memref<80xi32, #tpu.memory_space<vmem>>
      %dma_start3A_178 = arith.constant 0 : i32
      %dma_start3A_179 = arith.constant 0 : i32
      %dma_start3A_180 = tpu.memref_slice %arg2[%dma_start3A_178, %dma_start3A_179] : memref<10000x128xf32, #tpu.memory_space<hbm>> -> memref<10000x128xf32, #tpu.memory_space<hbm>>
      tpu.enqueue_indirect_dma source(%dma_start3A_180 : memref<10000x128xf32, #tpu.memory_space<hbm>>) target(%dma_start3A_176 : memref<80x128xf32, #tpu.memory_space<vmem>>) offsets(%dma_start3A_177 : memref<80xi32, #tpu.memory_space<vmem>>) semaphore(%arg13 : memref<!tpu.dma_semaphore, #tpu.memory_space<semaphore_mem>>)
      %dma_start3A_181 = arith.constant 160 : i32
      %dma_start3A_182 = arith.constant 0 : i32
      %dma_start3A_183 = tpu.memref_slice %arg10[%dma_start3A_181, %dma_start3A_182] : memref<400x128xf32, #tpu.memory_space<vmem>> -> memref<80x128xf32, #tpu.memory_space<vmem>>
      %dma_start3A_184 = tpu.memref_slice %arg8[%add3A_173] : memref<10000xi32, #tpu.memory_space<vmem>> -> memref<80xi32, #tpu.memory_space<vmem>>
      %dma_start3A_185 = arith.constant 0 : i32
      %dma_start3A_186 = arith.constant 0 : i32
      %dma_start3A_187 = tpu.memref_slice %arg2[%dma_start3A_185, %dma_start3A_186] : memref<10000x128xf32, #tpu.memory_space<hbm>> -> memref<10000x128xf32, #tpu.memory_space<hbm>>
      tpu.enqueue_indirect_dma source(%dma_start3A_187 : memref<10000x128xf32, #tpu.memory_space<hbm>>) target(%dma_start3A_183 : memref<80x128xf32, #tpu.memory_space<vmem>>) offsets(%dma_start3A_184 : memref<80xi32, #tpu.memory_space<vmem>>) semaphore(%arg13 : memref<!tpu.dma_semaphore, #tpu.memory_space<semaphore_mem>>)
      %gt3A_188 = arith.constant 0 : i32
      %gt3A_189 = arith.cmpi sgt, %scan3A_126, %gt3A_188 : i32
      %convert_element_type3A_190 = arith.extui %gt3A_189 : i1 to i32
      %cond3A_191 = arith.constant 0 : i32
      %cond3A_192 = arith.cmpi ne, %convert_element_type3A_190, %cond3A_191 : i32
      scf.if %cond3A_192 {
        %dma_wait3A_420 = arith.constant 240 : i32
        %dma_wait3A_421 = arith.constant 0 : i32
        %dma_wait3A_422 = tpu.memref_slice %arg9[%dma_wait3A_420, %dma_wait3A_421] : memref<400x128xf32, #tpu.memory_space<vmem>> -> memref<80x128xf32, #tpu.memory_space<vmem>>
        %dma_wait3A_423 = arith.constant 0 : i32
        %dma_wait3A_424 = arith.constant 0 : i32
        %dma_wait3A_425 = tpu.memref_slice %arg5[%dma_wait3A_423, %dma_wait3A_424] : memref<320000x128xf32, #tpu.memory_space<hbm>> -> memref<80x128xf32, #tpu.memory_space<hbm>>
        %dma_wait3A_426 = arith.constant 240 : i32
        %dma_wait3A_427 = arith.constant 0 : i32
        %dma_wait3A_428 = tpu.memref_slice %arg9[%dma_wait3A_426, %dma_wait3A_427] : memref<400x128xf32, #tpu.memory_space<vmem>> -> memref<80x128xf32, #tpu.memory_space<vmem>>
        %dma_wait3A_429 = arith.constant 0 : i32
        %dma_wait3A_430 = arith.constant 0 : i32
        %dma_wait3A_431 = tpu.memref_slice %arg5[%dma_wait3A_429, %dma_wait3A_430] : memref<320000x128xf32, #tpu.memory_space<hbm>> -> memref<80x128xf32, #tpu.memory_space<hbm>>
        tpu.wait_dma2 semaphore(%arg19 : memref<!tpu.dma_semaphore, #tpu.memory_space<semaphore_mem>>) src(%dma_wait3A_431 : memref<80x128xf32, #tpu.memory_space<hbm>>) dst(%dma_wait3A_428 : memref<80x128xf32, #tpu.memory_space<vmem>>)
        %dma_wait3A_432 = arith.constant 240 : i32
        %dma_wait3A_433 = arith.constant 0 : i32
        %dma_wait3A_434 = tpu.memref_slice %arg10[%dma_wait3A_432, %dma_wait3A_433] : memref<400x128xf32, #tpu.memory_space<vmem>> -> memref<80x128xf32, #tpu.memory_space<vmem>>
        %dma_wait3A_435 = arith.constant 0 : i32
        %dma_wait3A_436 = arith.constant 0 : i32
        %dma_wait3A_437 = tpu.memref_slice %arg6[%dma_wait3A_435, %dma_wait3A_436] : memref<320000x128xf32, #tpu.memory_space<hbm>> -> memref<80x128xf32, #tpu.memory_space<hbm>>
        %dma_wait3A_438 = arith.constant 240 : i32
        %dma_wait3A_439 = arith.constant 0 : i32
        %dma_wait3A_440 = tpu.memref_slice %arg10[%dma_wait3A_438, %dma_wait3A_439] : memref<400x128xf32, #tpu.memory_space<vmem>> -> memref<80x128xf32, #tpu.memory_space<vmem>>
        %dma_wait3A_441 = arith.constant 0 : i32
        %dma_wait3A_442 = arith.constant 0 : i32
        %dma_wait3A_443 = tpu.memref_slice %arg6[%dma_wait3A_441, %dma_wait3A_442] : memref<320000x128xf32, #tpu.memory_space<hbm>> -> memref<80x128xf32, #tpu.memory_space<hbm>>
        tpu.wait_dma2 semaphore(%arg19 : memref<!tpu.dma_semaphore, #tpu.memory_space<semaphore_mem>>) src(%dma_wait3A_443 : memref<80x128xf32, #tpu.memory_space<hbm>>) dst(%dma_wait3A_440 : memref<80x128xf32, #tpu.memory_space<vmem>>)
      } else {
      }
      %add3A_193 = arith.constant 240 : i32
      %add3A_194 = arith.addi %mul3A_128, %add3A_193 : i32
      %dma_start3A_195 = arith.constant 240 : i32
      %dma_start3A_196 = arith.constant 0 : i32
      %dma_start3A_197 = tpu.memref_slice %arg9[%dma_start3A_195, %dma_start3A_196] : memref<400x128xf32, #tpu.memory_space<vmem>> -> memref<80x128xf32, #tpu.memory_space<vmem>>
      %dma_start3A_198 = tpu.memref_slice %arg7[%add3A_194] : memref<10000xi32, #tpu.memory_space<vmem>> -> memref<80xi32, #tpu.memory_space<vmem>>
      %dma_start3A_199 = arith.constant 0 : i32
      %dma_start3A_200 = arith.constant 0 : i32
      %dma_start3A_201 = tpu.memref_slice %arg2[%dma_start3A_199, %dma_start3A_200] : memref<10000x128xf32, #tpu.memory_space<hbm>> -> memref<10000x128xf32, #tpu.memory_space<hbm>>
      tpu.enqueue_indirect_dma source(%dma_start3A_201 : memref<10000x128xf32, #tpu.memory_space<hbm>>) target(%dma_start3A_197 : memref<80x128xf32, #tpu.memory_space<vmem>>) offsets(%dma_start3A_198 : memref<80xi32, #tpu.memory_space<vmem>>) semaphore(%arg14 : memref<!tpu.dma_semaphore, #tpu.memory_space<semaphore_mem>>)
      %dma_start3A_202 = arith.constant 240 : i32
      %dma_start3A_203 = arith.constant 0 : i32
      %dma_start3A_204 = tpu.memref_slice %arg10[%dma_start3A_202, %dma_start3A_203] : memref<400x128xf32, #tpu.memory_space<vmem>> -> memref<80x128xf32, #tpu.memory_space<vmem>>
      %dma_start3A_205 = tpu.memref_slice %arg8[%add3A_194] : memref<10000xi32, #tpu.memory_space<vmem>> -> memref<80xi32, #tpu.memory_space<vmem>>
      %dma_start3A_206 = arith.constant 0 : i32
      %dma_start3A_207 = arith.constant 0 : i32
      %dma_start3A_208 = tpu.memref_slice %arg2[%dma_start3A_206, %dma_start3A_207] : memref<10000x128xf32, #tpu.memory_space<hbm>> -> memref<10000x128xf32, #tpu.memory_space<hbm>>
      tpu.enqueue_indirect_dma source(%dma_start3A_208 : memref<10000x128xf32, #tpu.memory_space<hbm>>) target(%dma_start3A_204 : memref<80x128xf32, #tpu.memory_space<vmem>>) offsets(%dma_start3A_205 : memref<80xi32, #tpu.memory_space<vmem>>) semaphore(%arg14 : memref<!tpu.dma_semaphore, #tpu.memory_space<semaphore_mem>>)
      %gt3A_209 = arith.constant 0 : i32
      %gt3A_210 = arith.cmpi sgt, %scan3A_126, %gt3A_209 : i32
      %convert_element_type3A_211 = arith.extui %gt3A_210 : i1 to i32
      %cond3A_212 = arith.constant 0 : i32
      %cond3A_213 = arith.cmpi ne, %convert_element_type3A_211, %cond3A_212 : i32
      scf.if %cond3A_213 {
        %dma_wait3A_420 = arith.constant 320 : i32
        %dma_wait3A_421 = arith.constant 0 : i32
        %dma_wait3A_422 = tpu.memref_slice %arg9[%dma_wait3A_420, %dma_wait3A_421] : memref<400x128xf32, #tpu.memory_space<vmem>> -> memref<80x128xf32, #tpu.memory_space<vmem>>
        %dma_wait3A_423 = arith.constant 0 : i32
        %dma_wait3A_424 = arith.constant 0 : i32
        %dma_wait3A_425 = tpu.memref_slice %arg5[%dma_wait3A_423, %dma_wait3A_424] : memref<320000x128xf32, #tpu.memory_space<hbm>> -> memref<80x128xf32, #tpu.memory_space<hbm>>
        %dma_wait3A_426 = arith.constant 320 : i32
        %dma_wait3A_427 = arith.constant 0 : i32
        %dma_wait3A_428 = tpu.memref_slice %arg9[%dma_wait3A_426, %dma_wait3A_427] : memref<400x128xf32, #tpu.memory_space<vmem>> -> memref<80x128xf32, #tpu.memory_space<vmem>>
        %dma_wait3A_429 = arith.constant 0 : i32
        %dma_wait3A_430 = arith.constant 0 : i32
        %dma_wait3A_431 = tpu.memref_slice %arg5[%dma_wait3A_429, %dma_wait3A_430] : memref<320000x128xf32, #tpu.memory_space<hbm>> -> memref<80x128xf32, #tpu.memory_space<hbm>>
        tpu.wait_dma2 semaphore(%arg20 : memref<!tpu.dma_semaphore, #tpu.memory_space<semaphore_mem>>) src(%dma_wait3A_431 : memref<80x128xf32, #tpu.memory_space<hbm>>) dst(%dma_wait3A_428 : memref<80x128xf32, #tpu.memory_space<vmem>>)
        %dma_wait3A_432 = arith.constant 320 : i32
        %dma_wait3A_433 = arith.constant 0 : i32
        %dma_wait3A_434 = tpu.memref_slice %arg10[%dma_wait3A_432, %dma_wait3A_433] : memref<400x128xf32, #tpu.memory_space<vmem>> -> memref<80x128xf32, #tpu.memory_space<vmem>>
        %dma_wait3A_435 = arith.constant 0 : i32
        %dma_wait3A_436 = arith.constant 0 : i32
        %dma_wait3A_437 = tpu.memref_slice %arg6[%dma_wait3A_435, %dma_wait3A_436] : memref<320000x128xf32, #tpu.memory_space<hbm>> -> memref<80x128xf32, #tpu.memory_space<hbm>>
        %dma_wait3A_438 = arith.constant 320 : i32
        %dma_wait3A_439 = arith.constant 0 : i32
        %dma_wait3A_440 = tpu.memref_slice %arg10[%dma_wait3A_438, %dma_wait3A_439] : memref<400x128xf32, #tpu.memory_space<vmem>> -> memref<80x128xf32, #tpu.memory_space<vmem>>
        %dma_wait3A_441 = arith.constant 0 : i32
        %dma_wait3A_442 = arith.constant 0 : i32
        %dma_wait3A_443 = tpu.memref_slice %arg6[%dma_wait3A_441, %dma_wait3A_442] : memref<320000x128xf32, #tpu.memory_space<hbm>> -> memref<80x128xf32, #tpu.memory_space<hbm>>
        tpu.wait_dma2 semaphore(%arg20 : memref<!tpu.dma_semaphore, #tpu.memory_space<semaphore_mem>>) src(%dma_wait3A_443 : memref<80x128xf32, #tpu.memory_space<hbm>>) dst(%dma_wait3A_440 : memref<80x128xf32, #tpu.memory_space<vmem>>)
      } else {
      }
      %add3A_214 = arith.constant 320 : i32
      %add3A_215 = arith.addi %mul3A_128, %add3A_214 : i32
      %dma_start3A_216 = arith.constant 320 : i32
      %dma_start3A_217 = arith.constant 0 : i32
      %dma_start3A_218 = tpu.memref_slice %arg9[%dma_start3A_216, %dma_start3A_217] : memref<400x128xf32, #tpu.memory_space<vmem>> -> memref<80x128xf32, #tpu.memory_space<vmem>>
      %dma_start3A_219 = tpu.memref_slice %arg7[%add3A_215] : memref<10000xi32, #tpu.memory_space<vmem>> -> memref<80xi32, #tpu.memory_space<vmem>>
      %dma_start3A_220 = arith.constant 0 : i32
      %dma_start3A_221 = arith.constant 0 : i32
      %dma_start3A_222 = tpu.memref_slice %arg2[%dma_start3A_220, %dma_start3A_221] : memref<10000x128xf32, #tpu.memory_space<hbm>> -> memref<10000x128xf32, #tpu.memory_space<hbm>>
      tpu.enqueue_indirect_dma source(%dma_start3A_222 : memref<10000x128xf32, #tpu.memory_space<hbm>>) target(%dma_start3A_218 : memref<80x128xf32, #tpu.memory_space<vmem>>) offsets(%dma_start3A_219 : memref<80xi32, #tpu.memory_space<vmem>>) semaphore(%arg15 : memref<!tpu.dma_semaphore, #tpu.memory_space<semaphore_mem>>)
      %dma_start3A_223 = arith.constant 320 : i32
      %dma_start3A_224 = arith.constant 0 : i32
      %dma_start3A_225 = tpu.memref_slice %arg10[%dma_start3A_223, %dma_start3A_224] : memref<400x128xf32, #tpu.memory_space<vmem>> -> memref<80x128xf32, #tpu.memory_space<vmem>>
      %dma_start3A_226 = tpu.memref_slice %arg8[%add3A_215] : memref<10000xi32, #tpu.memory_space<vmem>> -> memref<80xi32, #tpu.memory_space<vmem>>
      %dma_start3A_227 = arith.constant 0 : i32
      %dma_start3A_228 = arith.constant 0 : i32
      %dma_start3A_229 = tpu.memref_slice %arg2[%dma_start3A_227, %dma_start3A_228] : memref<10000x128xf32, #tpu.memory_space<hbm>> -> memref<10000x128xf32, #tpu.memory_space<hbm>>
      tpu.enqueue_indirect_dma source(%dma_start3A_229 : memref<10000x128xf32, #tpu.memory_space<hbm>>) target(%dma_start3A_225 : memref<80x128xf32, #tpu.memory_space<vmem>>) offsets(%dma_start3A_226 : memref<80xi32, #tpu.memory_space<vmem>>) semaphore(%arg15 : memref<!tpu.dma_semaphore, #tpu.memory_space<semaphore_mem>>)
      %dma_wait3A_230 = arith.constant 0 : i32
      %dma_wait3A_231 = arith.constant 0 : i32
      %dma_wait3A_232 = tpu.memref_slice %arg9[%dma_wait3A_230, %dma_wait3A_231] : memref<400x128xf32, #tpu.memory_space<vmem>> -> memref<80x128xf32, #tpu.memory_space<vmem>>
      %dma_wait3A_233 = tpu.memref_slice %arg7[%add3A_132] : memref<10000xi32, #tpu.memory_space<vmem>> -> memref<80xi32, #tpu.memory_space<vmem>>
      %dma_wait3A_234 = arith.constant 0 : i32
      %dma_wait3A_235 = arith.constant 0 : i32
      %dma_wait3A_236 = tpu.memref_slice %arg2[%dma_wait3A_234, %dma_wait3A_235] : memref<10000x128xf32, #tpu.memory_space<hbm>> -> memref<10000x128xf32, #tpu.memory_space<hbm>>
      tpu.wait_indirect_dma semaphore(%arg11 : memref<!tpu.dma_semaphore, #tpu.memory_space<semaphore_mem>>) src(%dma_wait3A_236 : memref<10000x128xf32, #tpu.memory_space<hbm>>) dst(%dma_wait3A_232 : memref<80x128xf32, #tpu.memory_space<vmem>>)
      %dma_wait3A_237 = arith.constant 0 : i32
      %dma_wait3A_238 = arith.constant 0 : i32
      %dma_wait3A_239 = tpu.memref_slice %arg10[%dma_wait3A_237, %dma_wait3A_238] : memref<400x128xf32, #tpu.memory_space<vmem>> -> memref<80x128xf32, #tpu.memory_space<vmem>>
      %dma_wait3A_240 = tpu.memref_slice %arg8[%add3A_132] : memref<10000xi32, #tpu.memory_space<vmem>> -> memref<80xi32, #tpu.memory_space<vmem>>
      %dma_wait3A_241 = arith.constant 0 : i32
      %dma_wait3A_242 = arith.constant 0 : i32
      %dma_wait3A_243 = tpu.memref_slice %arg2[%dma_wait3A_241, %dma_wait3A_242] : memref<10000x128xf32, #tpu.memory_space<hbm>> -> memref<10000x128xf32, #tpu.memory_space<hbm>>
      tpu.wait_indirect_dma semaphore(%arg11 : memref<!tpu.dma_semaphore, #tpu.memory_space<semaphore_mem>>) src(%dma_wait3A_243 : memref<10000x128xf32, #tpu.memory_space<hbm>>) dst(%dma_wait3A_239 : memref<80x128xf32, #tpu.memory_space<vmem>>)
      %add3A_244 = arith.constant 0 : i32
      %add3A_245 = arith.addi %mul3A_128, %add3A_244 : i32
      %add3A_246 = arith.addi %mul3A_2, %add3A_245 : i32
      %dma_start3A_247 = arith.constant 0 : i32
      %dma_start3A_248 = arith.constant 0 : i32
      %dma_start3A_249 = tpu.memref_slice %arg9[%dma_start3A_247, %dma_start3A_248] : memref<400x128xf32, #tpu.memory_space<vmem>> -> memref<80x128xf32, #tpu.memory_space<vmem>>
      %dma_start3A_250 = arith.constant 0 : i32
      %dma_start3A_251 = tpu.memref_slice %arg5[%add3A_246, %dma_start3A_250] : memref<320000x128xf32, #tpu.memory_space<hbm>> -> memref<80x128xf32, #tpu.memory_space<hbm>>
      %dma_start3A_252 = arith.constant 0 : i32
      %dma_start3A_253 = tpu.memref_slice %arg5[%add3A_246, %dma_start3A_252] : memref<320000x128xf32, #tpu.memory_space<hbm>> -> memref<80x128xf32, #tpu.memory_space<hbm>>
      %dma_start3A_254 = arith.constant 0 : i32
      %dma_start3A_255 = arith.constant 0 : i32
      %dma_start3A_256 = tpu.memref_slice %arg9[%dma_start3A_254, %dma_start3A_255] : memref<400x128xf32, #tpu.memory_space<vmem>> -> memref<80x128xf32, #tpu.memory_space<vmem>>
      tpu.enqueue_dma source(%dma_start3A_256 : memref<80x128xf32, #tpu.memory_space<vmem>>) target(%dma_start3A_253 : memref<80x128xf32, #tpu.memory_space<hbm>>) target_semaphore(%arg16 : memref<!tpu.dma_semaphore, #tpu.memory_space<semaphore_mem>>)
      %add3A_257 = arith.addi %mul3A_2, %add3A_245 : i32
      %dma_start3A_258 = arith.constant 0 : i32
      %dma_start3A_259 = arith.constant 0 : i32
      %dma_start3A_260 = tpu.memref_slice %arg10[%dma_start3A_258, %dma_start3A_259] : memref<400x128xf32, #tpu.memory_space<vmem>> -> memref<80x128xf32, #tpu.memory_space<vmem>>
      %dma_start3A_261 = arith.constant 0 : i32
      %dma_start3A_262 = tpu.memref_slice %arg6[%add3A_257, %dma_start3A_261] : memref<320000x128xf32, #tpu.memory_space<hbm>> -> memref<80x128xf32, #tpu.memory_space<hbm>>
      %dma_start3A_263 = arith.constant 0 : i32
      %dma_start3A_264 = tpu.memref_slice %arg6[%add3A_257, %dma_start3A_263] : memref<320000x128xf32, #tpu.memory_space<hbm>> -> memref<80x128xf32, #tpu.memory_space<hbm>>
      %dma_start3A_265 = arith.constant 0 : i32
      %dma_start3A_266 = arith.constant 0 : i32
      %dma_start3A_267 = tpu.memref_slice %arg10[%dma_start3A_265, %dma_start3A_266] : memref<400x128xf32, #tpu.memory_space<vmem>> -> memref<80x128xf32, #tpu.memory_space<vmem>>
      tpu.enqueue_dma source(%dma_start3A_267 : memref<80x128xf32, #tpu.memory_space<vmem>>) target(%dma_start3A_264 : memref<80x128xf32, #tpu.memory_space<hbm>>) target_semaphore(%arg16 : memref<!tpu.dma_semaphore, #tpu.memory_space<semaphore_mem>>)
      %dma_wait3A_268 = arith.constant 80 : i32
      %dma_wait3A_269 = arith.constant 0 : i32
      %dma_wait3A_270 = tpu.memref_slice %arg9[%dma_wait3A_268, %dma_wait3A_269] : memref<400x128xf32, #tpu.memory_space<vmem>> -> memref<80x128xf32, #tpu.memory_space<vmem>>
      %dma_wait3A_271 = tpu.memref_slice %arg7[%add3A_152] : memref<10000xi32, #tpu.memory_space<vmem>> -> memref<80xi32, #tpu.memory_space<vmem>>
      %dma_wait3A_272 = arith.constant 0 : i32
      %dma_wait3A_273 = arith.constant 0 : i32
      %dma_wait3A_274 = tpu.memref_slice %arg2[%dma_wait3A_272, %dma_wait3A_273] : memref<10000x128xf32, #tpu.memory_space<hbm>> -> memref<10000x128xf32, #tpu.memory_space<hbm>>
      tpu.wait_indirect_dma semaphore(%arg12 : memref<!tpu.dma_semaphore, #tpu.memory_space<semaphore_mem>>) src(%dma_wait3A_274 : memref<10000x128xf32, #tpu.memory_space<hbm>>) dst(%dma_wait3A_270 : memref<80x128xf32, #tpu.memory_space<vmem>>)
      %dma_wait3A_275 = arith.constant 80 : i32
      %dma_wait3A_276 = arith.constant 0 : i32
      %dma_wait3A_277 = tpu.memref_slice %arg10[%dma_wait3A_275, %dma_wait3A_276] : memref<400x128xf32, #tpu.memory_space<vmem>> -> memref<80x128xf32, #tpu.memory_space<vmem>>
      %dma_wait3A_278 = tpu.memref_slice %arg8[%add3A_152] : memref<10000xi32, #tpu.memory_space<vmem>> -> memref<80xi32, #tpu.memory_space<vmem>>
      %dma_wait3A_279 = arith.constant 0 : i32
      %dma_wait3A_280 = arith.constant 0 : i32
      %dma_wait3A_281 = tpu.memref_slice %arg2[%dma_wait3A_279, %dma_wait3A_280] : memref<10000x128xf32, #tpu.memory_space<hbm>> -> memref<10000x128xf32, #tpu.memory_space<hbm>>
      tpu.wait_indirect_dma semaphore(%arg12 : memref<!tpu.dma_semaphore, #tpu.memory_space<semaphore_mem>>) src(%dma_wait3A_281 : memref<10000x128xf32, #tpu.memory_space<hbm>>) dst(%dma_wait3A_277 : memref<80x128xf32, #tpu.memory_space<vmem>>)
      %add3A_282 = arith.constant 80 : i32
      %add3A_283 = arith.addi %mul3A_128, %add3A_282 : i32
      %add3A_284 = arith.addi %mul3A_2, %add3A_283 : i32
      %dma_start3A_285 = arith.constant 80 : i32
      %dma_start3A_286 = arith.constant 0 : i32
      %dma_start3A_287 = tpu.memref_slice %arg9[%dma_start3A_285, %dma_start3A_286] : memref<400x128xf32, #tpu.memory_space<vmem>> -> memref<80x128xf32, #tpu.memory_space<vmem>>
      %dma_start3A_288 = arith.constant 0 : i32
      %dma_start3A_289 = tpu.memref_slice %arg5[%add3A_284, %dma_start3A_288] : memref<320000x128xf32, #tpu.memory_space<hbm>> -> memref<80x128xf32, #tpu.memory_space<hbm>>
      %dma_start3A_290 = arith.constant 0 : i32
      %dma_start3A_291 = tpu.memref_slice %arg5[%add3A_284, %dma_start3A_290] : memref<320000x128xf32, #tpu.memory_space<hbm>> -> memref<80x128xf32, #tpu.memory_space<hbm>>
      %dma_start3A_292 = arith.constant 80 : i32
      %dma_start3A_293 = arith.constant 0 : i32
      %dma_start3A_294 = tpu.memref_slice %arg9[%dma_start3A_292, %dma_start3A_293] : memref<400x128xf32, #tpu.memory_space<vmem>> -> memref<80x128xf32, #tpu.memory_space<vmem>>
      tpu.enqueue_dma source(%dma_start3A_294 : memref<80x128xf32, #tpu.memory_space<vmem>>) target(%dma_start3A_291 : memref<80x128xf32, #tpu.memory_space<hbm>>) target_semaphore(%arg17 : memref<!tpu.dma_semaphore, #tpu.memory_space<semaphore_mem>>)
      %add3A_295 = arith.addi %mul3A_2, %add3A_283 : i32
      %dma_start3A_296 = arith.constant 80 : i32
      %dma_start3A_297 = arith.constant 0 : i32
      %dma_start3A_298 = tpu.memref_slice %arg10[%dma_start3A_296, %dma_start3A_297] : memref<400x128xf32, #tpu.memory_space<vmem>> -> memref<80x128xf32, #tpu.memory_space<vmem>>
      %dma_start3A_299 = arith.constant 0 : i32
      %dma_start3A_300 = tpu.memref_slice %arg6[%add3A_295, %dma_start3A_299] : memref<320000x128xf32, #tpu.memory_space<hbm>> -> memref<80x128xf32, #tpu.memory_space<hbm>>
      %dma_start3A_301 = arith.constant 0 : i32
      %dma_start3A_302 = tpu.memref_slice %arg6[%add3A_295, %dma_start3A_301] : memref<320000x128xf32, #tpu.memory_space<hbm>> -> memref<80x128xf32, #tpu.memory_space<hbm>>
      %dma_start3A_303 = arith.constant 80 : i32
      %dma_start3A_304 = arith.constant 0 : i32
      %dma_start3A_305 = tpu.memref_slice %arg10[%dma_start3A_303, %dma_start3A_304] : memref<400x128xf32, #tpu.memory_space<vmem>> -> memref<80x128xf32, #tpu.memory_space<vmem>>
      tpu.enqueue_dma source(%dma_start3A_305 : memref<80x128xf32, #tpu.memory_space<vmem>>) target(%dma_start3A_302 : memref<80x128xf32, #tpu.memory_space<hbm>>) target_semaphore(%arg17 : memref<!tpu.dma_semaphore, #tpu.memory_space<semaphore_mem>>)
      %dma_wait3A_306 = arith.constant 160 : i32
      %dma_wait3A_307 = arith.constant 0 : i32
      %dma_wait3A_308 = tpu.memref_slice %arg9[%dma_wait3A_306, %dma_wait3A_307] : memref<400x128xf32, #tpu.memory_space<vmem>> -> memref<80x128xf32, #tpu.memory_space<vmem>>
      %dma_wait3A_309 = tpu.memref_slice %arg7[%add3A_173] : memref<10000xi32, #tpu.memory_space<vmem>> -> memref<80xi32, #tpu.memory_space<vmem>>
      %dma_wait3A_310 = arith.constant 0 : i32
      %dma_wait3A_311 = arith.constant 0 : i32
      %dma_wait3A_312 = tpu.memref_slice %arg2[%dma_wait3A_310, %dma_wait3A_311] : memref<10000x128xf32, #tpu.memory_space<hbm>> -> memref<10000x128xf32, #tpu.memory_space<hbm>>
      tpu.wait_indirect_dma semaphore(%arg13 : memref<!tpu.dma_semaphore, #tpu.memory_space<semaphore_mem>>) src(%dma_wait3A_312 : memref<10000x128xf32, #tpu.memory_space<hbm>>) dst(%dma_wait3A_308 : memref<80x128xf32, #tpu.memory_space<vmem>>)
      %dma_wait3A_313 = arith.constant 160 : i32
      %dma_wait3A_314 = arith.constant 0 : i32
      %dma_wait3A_315 = tpu.memref_slice %arg10[%dma_wait3A_313, %dma_wait3A_314] : memref<400x128xf32, #tpu.memory_space<vmem>> -> memref<80x128xf32, #tpu.memory_space<vmem>>
      %dma_wait3A_316 = tpu.memref_slice %arg8[%add3A_173] : memref<10000xi32, #tpu.memory_space<vmem>> -> memref<80xi32, #tpu.memory_space<vmem>>
      %dma_wait3A_317 = arith.constant 0 : i32
      %dma_wait3A_318 = arith.constant 0 : i32
      %dma_wait3A_319 = tpu.memref_slice %arg2[%dma_wait3A_317, %dma_wait3A_318] : memref<10000x128xf32, #tpu.memory_space<hbm>> -> memref<10000x128xf32, #tpu.memory_space<hbm>>
      tpu.wait_indirect_dma semaphore(%arg13 : memref<!tpu.dma_semaphore, #tpu.memory_space<semaphore_mem>>) src(%dma_wait3A_319 : memref<10000x128xf32, #tpu.memory_space<hbm>>) dst(%dma_wait3A_315 : memref<80x128xf32, #tpu.memory_space<vmem>>)
      %add3A_320 = arith.constant 160 : i32
      %add3A_321 = arith.addi %mul3A_128, %add3A_320 : i32
      %add3A_322 = arith.addi %mul3A_2, %add3A_321 : i32
      %dma_start3A_323 = arith.constant 160 : i32
      %dma_start3A_324 = arith.constant 0 : i32
      %dma_start3A_325 = tpu.memref_slice %arg9[%dma_start3A_323, %dma_start3A_324] : memref<400x128xf32, #tpu.memory_space<vmem>> -> memref<80x128xf32, #tpu.memory_space<vmem>>
      %dma_start3A_326 = arith.constant 0 : i32
      %dma_start3A_327 = tpu.memref_slice %arg5[%add3A_322, %dma_start3A_326] : memref<320000x128xf32, #tpu.memory_space<hbm>> -> memref<80x128xf32, #tpu.memory_space<hbm>>
      %dma_start3A_328 = arith.constant 0 : i32
      %dma_start3A_329 = tpu.memref_slice %arg5[%add3A_322, %dma_start3A_328] : memref<320000x128xf32, #tpu.memory_space<hbm>> -> memref<80x128xf32, #tpu.memory_space<hbm>>
      %dma_start3A_330 = arith.constant 160 : i32
      %dma_start3A_331 = arith.constant 0 : i32
      %dma_start3A_332 = tpu.memref_slice %arg9[%dma_start3A_330, %dma_start3A_331] : memref<400x128xf32, #tpu.memory_space<vmem>> -> memref<80x128xf32, #tpu.memory_space<vmem>>
      tpu.enqueue_dma source(%dma_start3A_332 : memref<80x128xf32, #tpu.memory_space<vmem>>) target(%dma_start3A_329 : memref<80x128xf32, #tpu.memory_space<hbm>>) target_semaphore(%arg18 : memref<!tpu.dma_semaphore, #tpu.memory_space<semaphore_mem>>)
      %add3A_333 = arith.addi %mul3A_2, %add3A_321 : i32
      %dma_start3A_334 = arith.constant 160 : i32
      %dma_start3A_335 = arith.constant 0 : i32
      %dma_start3A_336 = tpu.memref_slice %arg10[%dma_start3A_334, %dma_start3A_335] : memref<400x128xf32, #tpu.memory_space<vmem>> -> memref<80x128xf32, #tpu.memory_space<vmem>>
      %dma_start3A_337 = arith.constant 0 : i32
      %dma_start3A_338 = tpu.memref_slice %arg6[%add3A_333, %dma_start3A_337] : memref<320000x128xf32, #tpu.memory_space<hbm>> -> memref<80x128xf32, #tpu.memory_space<hbm>>
      %dma_start3A_339 = arith.constant 0 : i32
      %dma_start3A_340 = tpu.memref_slice %arg6[%add3A_333, %dma_start3A_339] : memref<320000x128xf32, #tpu.memory_space<hbm>> -> memref<80x128xf32, #tpu.memory_space<hbm>>
      %dma_start3A_341 = arith.constant 160 : i32
      %dma_start3A_342 = arith.constant 0 : i32
      %dma_start3A_343 = tpu.memref_slice %arg10[%dma_start3A_341, %dma_start3A_342] : memref<400x128xf32, #tpu.memory_space<vmem>> -> memref<80x128xf32, #tpu.memory_space<vmem>>
      tpu.enqueue_dma source(%dma_start3A_343 : memref<80x128xf32, #tpu.memory_space<vmem>>) target(%dma_start3A_340 : memref<80x128xf32, #tpu.memory_space<hbm>>) target_semaphore(%arg18 : memref<!tpu.dma_semaphore, #tpu.memory_space<semaphore_mem>>)
      %dma_wait3A_344 = arith.constant 240 : i32
      %dma_wait3A_345 = arith.constant 0 : i32
      %dma_wait3A_346 = tpu.memref_slice %arg9[%dma_wait3A_344, %dma_wait3A_345] : memref<400x128xf32, #tpu.memory_space<vmem>> -> memref<80x128xf32, #tpu.memory_space<vmem>>
      %dma_wait3A_347 = tpu.memref_slice %arg7[%add3A_194] : memref<10000xi32, #tpu.memory_space<vmem>> -> memref<80xi32, #tpu.memory_space<vmem>>
      %dma_wait3A_348 = arith.constant 0 : i32
      %dma_wait3A_349 = arith.constant 0 : i32
      %dma_wait3A_350 = tpu.memref_slice %arg2[%dma_wait3A_348, %dma_wait3A_349] : memref<10000x128xf32, #tpu.memory_space<hbm>> -> memref<10000x128xf32, #tpu.memory_space<hbm>>
      tpu.wait_indirect_dma semaphore(%arg14 : memref<!tpu.dma_semaphore, #tpu.memory_space<semaphore_mem>>) src(%dma_wait3A_350 : memref<10000x128xf32, #tpu.memory_space<hbm>>) dst(%dma_wait3A_346 : memref<80x128xf32, #tpu.memory_space<vmem>>)
      %dma_wait3A_351 = arith.constant 240 : i32
      %dma_wait3A_352 = arith.constant 0 : i32
      %dma_wait3A_353 = tpu.memref_slice %arg10[%dma_wait3A_351, %dma_wait3A_352] : memref<400x128xf32, #tpu.memory_space<vmem>> -> memref<80x128xf32, #tpu.memory_space<vmem>>
      %dma_wait3A_354 = tpu.memref_slice %arg8[%add3A_194] : memref<10000xi32, #tpu.memory_space<vmem>> -> memref<80xi32, #tpu.memory_space<vmem>>
      %dma_wait3A_355 = arith.constant 0 : i32
      %dma_wait3A_356 = arith.constant 0 : i32
      %dma_wait3A_357 = tpu.memref_slice %arg2[%dma_wait3A_355, %dma_wait3A_356] : memref<10000x128xf32, #tpu.memory_space<hbm>> -> memref<10000x128xf32, #tpu.memory_space<hbm>>
      tpu.wait_indirect_dma semaphore(%arg14 : memref<!tpu.dma_semaphore, #tpu.memory_space<semaphore_mem>>) src(%dma_wait3A_357 : memref<10000x128xf32, #tpu.memory_space<hbm>>) dst(%dma_wait3A_353 : memref<80x128xf32, #tpu.memory_space<vmem>>)
      %add3A_358 = arith.constant 240 : i32
      %add3A_359 = arith.addi %mul3A_128, %add3A_358 : i32
      %add3A_360 = arith.addi %mul3A_2, %add3A_359 : i32
      %dma_start3A_361 = arith.constant 240 : i32
      %dma_start3A_362 = arith.constant 0 : i32
      %dma_start3A_363 = tpu.memref_slice %arg9[%dma_start3A_361, %dma_start3A_362] : memref<400x128xf32, #tpu.memory_space<vmem>> -> memref<80x128xf32, #tpu.memory_space<vmem>>
      %dma_start3A_364 = arith.constant 0 : i32
      %dma_start3A_365 = tpu.memref_slice %arg5[%add3A_360, %dma_start3A_364] : memref<320000x128xf32, #tpu.memory_space<hbm>> -> memref<80x128xf32, #tpu.memory_space<hbm>>
      %dma_start3A_366 = arith.constant 0 : i32
      %dma_start3A_367 = tpu.memref_slice %arg5[%add3A_360, %dma_start3A_366] : memref<320000x128xf32, #tpu.memory_space<hbm>> -> memref<80x128xf32, #tpu.memory_space<hbm>>
      %dma_start3A_368 = arith.constant 240 : i32
      %dma_start3A_369 = arith.constant 0 : i32
      %dma_start3A_370 = tpu.memref_slice %arg9[%dma_start3A_368, %dma_start3A_369] : memref<400x128xf32, #tpu.memory_space<vmem>> -> memref<80x128xf32, #tpu.memory_space<vmem>>
      tpu.enqueue_dma source(%dma_start3A_370 : memref<80x128xf32, #tpu.memory_space<vmem>>) target(%dma_start3A_367 : memref<80x128xf32, #tpu.memory_space<hbm>>) target_semaphore(%arg19 : memref<!tpu.dma_semaphore, #tpu.memory_space<semaphore_mem>>)
      %add3A_371 = arith.addi %mul3A_2, %add3A_359 : i32
      %dma_start3A_372 = arith.constant 240 : i32
      %dma_start3A_373 = arith.constant 0 : i32
      %dma_start3A_374 = tpu.memref_slice %arg10[%dma_start3A_372, %dma_start3A_373] : memref<400x128xf32, #tpu.memory_space<vmem>> -> memref<80x128xf32, #tpu.memory_space<vmem>>
      %dma_start3A_375 = arith.constant 0 : i32
      %dma_start3A_376 = tpu.memref_slice %arg6[%add3A_371, %dma_start3A_375] : memref<320000x128xf32, #tpu.memory_space<hbm>> -> memref<80x128xf32, #tpu.memory_space<hbm>>
      %dma_start3A_377 = arith.constant 0 : i32
      %dma_start3A_378 = tpu.memref_slice %arg6[%add3A_371, %dma_start3A_377] : memref<320000x128xf32, #tpu.memory_space<hbm>> -> memref<80x128xf32, #tpu.memory_space<hbm>>
      %dma_start3A_379 = arith.constant 240 : i32
      %dma_start3A_380 = arith.constant 0 : i32
      %dma_start3A_381 = tpu.memref_slice %arg10[%dma_start3A_379, %dma_start3A_380] : memref<400x128xf32, #tpu.memory_space<vmem>> -> memref<80x128xf32, #tpu.memory_space<vmem>>
      tpu.enqueue_dma source(%dma_start3A_381 : memref<80x128xf32, #tpu.memory_space<vmem>>) target(%dma_start3A_378 : memref<80x128xf32, #tpu.memory_space<hbm>>) target_semaphore(%arg19 : memref<!tpu.dma_semaphore, #tpu.memory_space<semaphore_mem>>)
      %dma_wait3A_382 = arith.constant 320 : i32
      %dma_wait3A_383 = arith.constant 0 : i32
      %dma_wait3A_384 = tpu.memref_slice %arg9[%dma_wait3A_382, %dma_wait3A_383] : memref<400x128xf32, #tpu.memory_space<vmem>> -> memref<80x128xf32, #tpu.memory_space<vmem>>
      %dma_wait3A_385 = tpu.memref_slice %arg7[%add3A_215] : memref<10000xi32, #tpu.memory_space<vmem>> -> memref<80xi32, #tpu.memory_space<vmem>>
      %dma_wait3A_386 = arith.constant 0 : i32
      %dma_wait3A_387 = arith.constant 0 : i32
      %dma_wait3A_388 = tpu.memref_slice %arg2[%dma_wait3A_386, %dma_wait3A_387] : memref<10000x128xf32, #tpu.memory_space<hbm>> -> memref<10000x128xf32, #tpu.memory_space<hbm>>
      tpu.wait_indirect_dma semaphore(%arg15 : memref<!tpu.dma_semaphore, #tpu.memory_space<semaphore_mem>>) src(%dma_wait3A_388 : memref<10000x128xf32, #tpu.memory_space<hbm>>) dst(%dma_wait3A_384 : memref<80x128xf32, #tpu.memory_space<vmem>>)
      %dma_wait3A_389 = arith.constant 320 : i32
      %dma_wait3A_390 = arith.constant 0 : i32
      %dma_wait3A_391 = tpu.memref_slice %arg10[%dma_wait3A_389, %dma_wait3A_390] : memref<400x128xf32, #tpu.memory_space<vmem>> -> memref<80x128xf32, #tpu.memory_space<vmem>>
      %dma_wait3A_392 = tpu.memref_slice %arg8[%add3A_215] : memref<10000xi32, #tpu.memory_space<vmem>> -> memref<80xi32, #tpu.memory_space<vmem>>
      %dma_wait3A_393 = arith.constant 0 : i32
      %dma_wait3A_394 = arith.constant 0 : i32
      %dma_wait3A_395 = tpu.memref_slice %arg2[%dma_wait3A_393, %dma_wait3A_394] : memref<10000x128xf32, #tpu.memory_space<hbm>> -> memref<10000x128xf32, #tpu.memory_space<hbm>>
      tpu.wait_indirect_dma semaphore(%arg15 : memref<!tpu.dma_semaphore, #tpu.memory_space<semaphore_mem>>) src(%dma_wait3A_395 : memref<10000x128xf32, #tpu.memory_space<hbm>>) dst(%dma_wait3A_391 : memref<80x128xf32, #tpu.memory_space<vmem>>)
      %add3A_396 = arith.constant 320 : i32
      %add3A_397 = arith.addi %mul3A_128, %add3A_396 : i32
      %add3A_398 = arith.addi %mul3A_2, %add3A_397 : i32
      %dma_start3A_399 = arith.constant 320 : i32
      %dma_start3A_400 = arith.constant 0 : i32
      %dma_start3A_401 = tpu.memref_slice %arg9[%dma_start3A_399, %dma_start3A_400] : memref<400x128xf32, #tpu.memory_space<vmem>> -> memref<80x128xf32, #tpu.memory_space<vmem>>
      %dma_start3A_402 = arith.constant 0 : i32
      %dma_start3A_403 = tpu.memref_slice %arg5[%add3A_398, %dma_start3A_402] : memref<320000x128xf32, #tpu.memory_space<hbm>> -> memref<80x128xf32, #tpu.memory_space<hbm>>
      %dma_start3A_404 = arith.constant 0 : i32
      %dma_start3A_405 = tpu.memref_slice %arg5[%add3A_398, %dma_start3A_404] : memref<320000x128xf32, #tpu.memory_space<hbm>> -> memref<80x128xf32, #tpu.memory_space<hbm>>
      %dma_start3A_406 = arith.constant 320 : i32
      %dma_start3A_407 = arith.constant 0 : i32
      %dma_start3A_408 = tpu.memref_slice %arg9[%dma_start3A_406, %dma_start3A_407] : memref<400x128xf32, #tpu.memory_space<vmem>> -> memref<80x128xf32, #tpu.memory_space<vmem>>
      tpu.enqueue_dma source(%dma_start3A_408 : memref<80x128xf32, #tpu.memory_space<vmem>>) target(%dma_start3A_405 : memref<80x128xf32, #tpu.memory_space<hbm>>) target_semaphore(%arg20 : memref<!tpu.dma_semaphore, #tpu.memory_space<semaphore_mem>>)
      %add3A_409 = arith.addi %mul3A_2, %add3A_397 : i32
      %dma_start3A_410 = arith.constant 320 : i32
      %dma_start3A_411 = arith.constant 0 : i32
      %dma_start3A_412 = tpu.memref_slice %arg10[%dma_start3A_410, %dma_start3A_411] : memref<400x128xf32, #tpu.memory_space<vmem>> -> memref<80x128xf32, #tpu.memory_space<vmem>>
      %dma_start3A_413 = arith.constant 0 : i32
      %dma_start3A_414 = tpu.memref_slice %arg6[%add3A_409, %dma_start3A_413] : memref<320000x128xf32, #tpu.memory_space<hbm>> -> memref<80x128xf32, #tpu.memory_space<hbm>>
      %dma_start3A_415 = arith.constant 0 : i32
      %dma_start3A_416 = tpu.memref_slice %arg6[%add3A_409, %dma_start3A_415] : memref<320000x128xf32, #tpu.memory_space<hbm>> -> memref<80x128xf32, #tpu.memory_space<hbm>>
      %dma_start3A_417 = arith.constant 320 : i32
      %dma_start3A_418 = arith.constant 0 : i32
      %dma_start3A_419 = tpu.memref_slice %arg10[%dma_start3A_417, %dma_start3A_418] : memref<400x128xf32, #tpu.memory_space<vmem>> -> memref<80x128xf32, #tpu.memory_space<vmem>>
      tpu.enqueue_dma source(%dma_start3A_419 : memref<80x128xf32, #tpu.memory_space<vmem>>) target(%dma_start3A_416 : memref<80x128xf32, #tpu.memory_space<hbm>>) target_semaphore(%arg20 : memref<!tpu.dma_semaphore, #tpu.memory_space<semaphore_mem>>)
    }
    %scan3A_6 = arith.constant 25 : i32
    %dma_wait3A = arith.constant 0 : i32
    %dma_wait3A_7 = arith.constant 0 : i32
    %dma_wait3A_8 = tpu.memref_slice %arg9[%dma_wait3A, %dma_wait3A_7] : memref<400x128xf32, #tpu.memory_space<vmem>> -> memref<80x128xf32, #tpu.memory_space<vmem>>
    %dma_wait3A_9 = arith.constant 0 : i32
    %dma_wait3A_10 = arith.constant 0 : i32
    %dma_wait3A_11 = tpu.memref_slice %arg5[%dma_wait3A_9, %dma_wait3A_10] : memref<320000x128xf32, #tpu.memory_space<hbm>> -> memref<80x128xf32, #tpu.memory_space<hbm>>
    %dma_wait3A_12 = arith.constant 0 : i32
    %dma_wait3A_13 = arith.constant 0 : i32
    %dma_wait3A_14 = tpu.memref_slice %arg9[%dma_wait3A_12, %dma_wait3A_13] : memref<400x128xf32, #tpu.memory_space<vmem>> -> memref<80x128xf32, #tpu.memory_space<vmem>>
    %dma_wait3A_15 = arith.constant 0 : i32
    %dma_wait3A_16 = arith.constant 0 : i32
    %dma_wait3A_17 = tpu.memref_slice %arg5[%dma_wait3A_15, %dma_wait3A_16] : memref<320000x128xf32, #tpu.memory_space<hbm>> -> memref<80x128xf32, #tpu.memory_space<hbm>>
    tpu.wait_dma2 semaphore(%arg16 : memref<!tpu.dma_semaphore, #tpu.memory_space<semaphore_mem>>) src(%dma_wait3A_17 : memref<80x128xf32, #tpu.memory_space<hbm>>) dst(%dma_wait3A_14 : memref<80x128xf32, #tpu.memory_space<vmem>>)
    %dma_wait3A_18 = arith.constant 0 : i32
    %dma_wait3A_19 = arith.constant 0 : i32
    %dma_wait3A_20 = tpu.memref_slice %arg10[%dma_wait3A_18, %dma_wait3A_19] : memref<400x128xf32, #tpu.memory_space<vmem>> -> memref<80x128xf32, #tpu.memory_space<vmem>>
    %dma_wait3A_21 = arith.constant 0 : i32
    %dma_wait3A_22 = arith.constant 0 : i32
    %dma_wait3A_23 = tpu.memref_slice %arg6[%dma_wait3A_21, %dma_wait3A_22] : memref<320000x128xf32, #tpu.memory_space<hbm>> -> memref<80x128xf32, #tpu.memory_space<hbm>>
    %dma_wait3A_24 = arith.constant 0 : i32
    %dma_wait3A_25 = arith.constant 0 : i32
    %dma_wait3A_26 = tpu.memref_slice %arg10[%dma_wait3A_24, %dma_wait3A_25] : memref<400x128xf32, #tpu.memory_space<vmem>> -> memref<80x128xf32, #tpu.memory_space<vmem>>
    %dma_wait3A_27 = arith.constant 0 : i32
    %dma_wait3A_28 = arith.constant 0 : i32
    %dma_wait3A_29 = tpu.memref_slice %arg6[%dma_wait3A_27, %dma_wait3A_28] : memref<320000x128xf32, #tpu.memory_space<hbm>> -> memref<80x128xf32, #tpu.memory_space<hbm>>
    tpu.wait_dma2 semaphore(%arg16 : memref<!tpu.dma_semaphore, #tpu.memory_space<semaphore_mem>>) src(%dma_wait3A_29 : memref<80x128xf32, #tpu.memory_space<hbm>>) dst(%dma_wait3A_26 : memref<80x128xf32, #tpu.memory_space<vmem>>)
    %dma_wait3A_30 = arith.constant 80 : i32
    %dma_wait3A_31 = arith.constant 0 : i32
    %dma_wait3A_32 = tpu.memref_slice %arg9[%dma_wait3A_30, %dma_wait3A_31] : memref<400x128xf32, #tpu.memory_space<vmem>> -> memref<80x128xf32, #tpu.memory_space<vmem>>
    %dma_wait3A_33 = arith.constant 0 : i32
    %dma_wait3A_34 = arith.constant 0 : i32
    %dma_wait3A_35 = tpu.memref_slice %arg5[%dma_wait3A_33, %dma_wait3A_34] : memref<320000x128xf32, #tpu.memory_space<hbm>> -> memref<80x128xf32, #tpu.memory_space<hbm>>
    %dma_wait3A_36 = arith.constant 80 : i32
    %dma_wait3A_37 = arith.constant 0 : i32
    %dma_wait3A_38 = tpu.memref_slice %arg9[%dma_wait3A_36, %dma_wait3A_37] : memref<400x128xf32, #tpu.memory_space<vmem>> -> memref<80x128xf32, #tpu.memory_space<vmem>>
    %dma_wait3A_39 = arith.constant 0 : i32
    %dma_wait3A_40 = arith.constant 0 : i32
    %dma_wait3A_41 = tpu.memref_slice %arg5[%dma_wait3A_39, %dma_wait3A_40] : memref<320000x128xf32, #tpu.memory_space<hbm>> -> memref<80x128xf32, #tpu.memory_space<hbm>>
    tpu.wait_dma2 semaphore(%arg17 : memref<!tpu.dma_semaphore, #tpu.memory_space<semaphore_mem>>) src(%dma_wait3A_41 : memref<80x128xf32, #tpu.memory_space<hbm>>) dst(%dma_wait3A_38 : memref<80x128xf32, #tpu.memory_space<vmem>>)
    %dma_wait3A_42 = arith.constant 80 : i32
    %dma_wait3A_43 = arith.constant 0 : i32
    %dma_wait3A_44 = tpu.memref_slice %arg10[%dma_wait3A_42, %dma_wait3A_43] : memref<400x128xf32, #tpu.memory_space<vmem>> -> memref<80x128xf32, #tpu.memory_space<vmem>>
    %dma_wait3A_45 = arith.constant 0 : i32
    %dma_wait3A_46 = arith.constant 0 : i32
    %dma_wait3A_47 = tpu.memref_slice %arg6[%dma_wait3A_45, %dma_wait3A_46] : memref<320000x128xf32, #tpu.memory_space<hbm>> -> memref<80x128xf32, #tpu.memory_space<hbm>>
    %dma_wait3A_48 = arith.constant 80 : i32
    %dma_wait3A_49 = arith.constant 0 : i32
    %dma_wait3A_50 = tpu.memref_slice %arg10[%dma_wait3A_48, %dma_wait3A_49] : memref<400x128xf32, #tpu.memory_space<vmem>> -> memref<80x128xf32, #tpu.memory_space<vmem>>
    %dma_wait3A_51 = arith.constant 0 : i32
    %dma_wait3A_52 = arith.constant 0 : i32
    %dma_wait3A_53 = tpu.memref_slice %arg6[%dma_wait3A_51, %dma_wait3A_52] : memref<320000x128xf32, #tpu.memory_space<hbm>> -> memref<80x128xf32, #tpu.memory_space<hbm>>
    tpu.wait_dma2 semaphore(%arg17 : memref<!tpu.dma_semaphore, #tpu.memory_space<semaphore_mem>>) src(%dma_wait3A_53 : memref<80x128xf32, #tpu.memory_space<hbm>>) dst(%dma_wait3A_50 : memref<80x128xf32, #tpu.memory_space<vmem>>)
    %dma_wait3A_54 = arith.constant 160 : i32
    %dma_wait3A_55 = arith.constant 0 : i32
    %dma_wait3A_56 = tpu.memref_slice %arg9[%dma_wait3A_54, %dma_wait3A_55] : memref<400x128xf32, #tpu.memory_space<vmem>> -> memref<80x128xf32, #tpu.memory_space<vmem>>
    %dma_wait3A_57 = arith.constant 0 : i32
    %dma_wait3A_58 = arith.constant 0 : i32
    %dma_wait3A_59 = tpu.memref_slice %arg5[%dma_wait3A_57, %dma_wait3A_58] : memref<320000x128xf32, #tpu.memory_space<hbm>> -> memref<80x128xf32, #tpu.memory_space<hbm>>
    %dma_wait3A_60 = arith.constant 160 : i32
    %dma_wait3A_61 = arith.constant 0 : i32
    %dma_wait3A_62 = tpu.memref_slice %arg9[%dma_wait3A_60, %dma_wait3A_61] : memref<400x128xf32, #tpu.memory_space<vmem>> -> memref<80x128xf32, #tpu.memory_space<vmem>>
    %dma_wait3A_63 = arith.constant 0 : i32
    %dma_wait3A_64 = arith.constant 0 : i32
    %dma_wait3A_65 = tpu.memref_slice %arg5[%dma_wait3A_63, %dma_wait3A_64] : memref<320000x128xf32, #tpu.memory_space<hbm>> -> memref<80x128xf32, #tpu.memory_space<hbm>>
    tpu.wait_dma2 semaphore(%arg18 : memref<!tpu.dma_semaphore, #tpu.memory_space<semaphore_mem>>) src(%dma_wait3A_65 : memref<80x128xf32, #tpu.memory_space<hbm>>) dst(%dma_wait3A_62 : memref<80x128xf32, #tpu.memory_space<vmem>>)
    %dma_wait3A_66 = arith.constant 160 : i32
    %dma_wait3A_67 = arith.constant 0 : i32
    %dma_wait3A_68 = tpu.memref_slice %arg10[%dma_wait3A_66, %dma_wait3A_67] : memref<400x128xf32, #tpu.memory_space<vmem>> -> memref<80x128xf32, #tpu.memory_space<vmem>>
    %dma_wait3A_69 = arith.constant 0 : i32
    %dma_wait3A_70 = arith.constant 0 : i32
    %dma_wait3A_71 = tpu.memref_slice %arg6[%dma_wait3A_69, %dma_wait3A_70] : memref<320000x128xf32, #tpu.memory_space<hbm>> -> memref<80x128xf32, #tpu.memory_space<hbm>>
    %dma_wait3A_72 = arith.constant 160 : i32
    %dma_wait3A_73 = arith.constant 0 : i32
    %dma_wait3A_74 = tpu.memref_slice %arg10[%dma_wait3A_72, %dma_wait3A_73] : memref<400x128xf32, #tpu.memory_space<vmem>> -> memref<80x128xf32, #tpu.memory_space<vmem>>
    %dma_wait3A_75 = arith.constant 0 : i32
    %dma_wait3A_76 = arith.constant 0 : i32
    %dma_wait3A_77 = tpu.memref_slice %arg6[%dma_wait3A_75, %dma_wait3A_76] : memref<320000x128xf32, #tpu.memory_space<hbm>> -> memref<80x128xf32, #tpu.memory_space<hbm>>
    tpu.wait_dma2 semaphore(%arg18 : memref<!tpu.dma_semaphore, #tpu.memory_space<semaphore_mem>>) src(%dma_wait3A_77 : memref<80x128xf32, #tpu.memory_space<hbm>>) dst(%dma_wait3A_74 : memref<80x128xf32, #tpu.memory_space<vmem>>)
    %dma_wait3A_78 = arith.constant 240 : i32
    %dma_wait3A_79 = arith.constant 0 : i32
    %dma_wait3A_80 = tpu.memref_slice %arg9[%dma_wait3A_78, %dma_wait3A_79] : memref<400x128xf32, #tpu.memory_space<vmem>> -> memref<80x128xf32, #tpu.memory_space<vmem>>
    %dma_wait3A_81 = arith.constant 0 : i32
    %dma_wait3A_82 = arith.constant 0 : i32
    %dma_wait3A_83 = tpu.memref_slice %arg5[%dma_wait3A_81, %dma_wait3A_82] : memref<320000x128xf32, #tpu.memory_space<hbm>> -> memref<80x128xf32, #tpu.memory_space<hbm>>
    %dma_wait3A_84 = arith.constant 240 : i32
    %dma_wait3A_85 = arith.constant 0 : i32
    %dma_wait3A_86 = tpu.memref_slice %arg9[%dma_wait3A_84, %dma_wait3A_85] : memref<400x128xf32, #tpu.memory_space<vmem>> -> memref<80x128xf32, #tpu.memory_space<vmem>>
    %dma_wait3A_87 = arith.constant 0 : i32
    %dma_wait3A_88 = arith.constant 0 : i32
    %dma_wait3A_89 = tpu.memref_slice %arg5[%dma_wait3A_87, %dma_wait3A_88] : memref<320000x128xf32, #tpu.memory_space<hbm>> -> memref<80x128xf32, #tpu.memory_space<hbm>>
    tpu.wait_dma2 semaphore(%arg19 : memref<!tpu.dma_semaphore, #tpu.memory_space<semaphore_mem>>) src(%dma_wait3A_89 : memref<80x128xf32, #tpu.memory_space<hbm>>) dst(%dma_wait3A_86 : memref<80x128xf32, #tpu.memory_space<vmem>>)
    %dma_wait3A_90 = arith.constant 240 : i32
    %dma_wait3A_91 = arith.constant 0 : i32
    %dma_wait3A_92 = tpu.memref_slice %arg10[%dma_wait3A_90, %dma_wait3A_91] : memref<400x128xf32, #tpu.memory_space<vmem>> -> memref<80x128xf32, #tpu.memory_space<vmem>>
    %dma_wait3A_93 = arith.constant 0 : i32
    %dma_wait3A_94 = arith.constant 0 : i32
    %dma_wait3A_95 = tpu.memref_slice %arg6[%dma_wait3A_93, %dma_wait3A_94] : memref<320000x128xf32, #tpu.memory_space<hbm>> -> memref<80x128xf32, #tpu.memory_space<hbm>>
    %dma_wait3A_96 = arith.constant 240 : i32
    %dma_wait3A_97 = arith.constant 0 : i32
    %dma_wait3A_98 = tpu.memref_slice %arg10[%dma_wait3A_96, %dma_wait3A_97] : memref<400x128xf32, #tpu.memory_space<vmem>> -> memref<80x128xf32, #tpu.memory_space<vmem>>
    %dma_wait3A_99 = arith.constant 0 : i32
    %dma_wait3A_100 = arith.constant 0 : i32
    %dma_wait3A_101 = tpu.memref_slice %arg6[%dma_wait3A_99, %dma_wait3A_100] : memref<320000x128xf32, #tpu.memory_space<hbm>> -> memref<80x128xf32, #tpu.memory_space<hbm>>
    tpu.wait_dma2 semaphore(%arg19 : memref<!tpu.dma_semaphore, #tpu.memory_space<semaphore_mem>>) src(%dma_wait3A_101 : memref<80x128xf32, #tpu.memory_space<hbm>>) dst(%dma_wait3A_98 : memref<80x128xf32, #tpu.memory_space<vmem>>)
    %dma_wait3A_102 = arith.constant 320 : i32
    %dma_wait3A_103 = arith.constant 0 : i32
    %dma_wait3A_104 = tpu.memref_slice %arg9[%dma_wait3A_102, %dma_wait3A_103] : memref<400x128xf32, #tpu.memory_space<vmem>> -> memref<80x128xf32, #tpu.memory_space<vmem>>
    %dma_wait3A_105 = arith.constant 0 : i32
    %dma_wait3A_106 = arith.constant 0 : i32
    %dma_wait3A_107 = tpu.memref_slice %arg5[%dma_wait3A_105, %dma_wait3A_106] : memref<320000x128xf32, #tpu.memory_space<hbm>> -> memref<80x128xf32, #tpu.memory_space<hbm>>
    %dma_wait3A_108 = arith.constant 320 : i32
    %dma_wait3A_109 = arith.constant 0 : i32
    %dma_wait3A_110 = tpu.memref_slice %arg9[%dma_wait3A_108, %dma_wait3A_109] : memref<400x128xf32, #tpu.memory_space<vmem>> -> memref<80x128xf32, #tpu.memory_space<vmem>>
    %dma_wait3A_111 = arith.constant 0 : i32
    %dma_wait3A_112 = arith.constant 0 : i32
    %dma_wait3A_113 = tpu.memref_slice %arg5[%dma_wait3A_111, %dma_wait3A_112] : memref<320000x128xf32, #tpu.memory_space<hbm>> -> memref<80x128xf32, #tpu.memory_space<hbm>>
    tpu.wait_dma2 semaphore(%arg20 : memref<!tpu.dma_semaphore, #tpu.memory_space<semaphore_mem>>) src(%dma_wait3A_113 : memref<80x128xf32, #tpu.memory_space<hbm>>) dst(%dma_wait3A_110 : memref<80x128xf32, #tpu.memory_space<vmem>>)
    %dma_wait3A_114 = arith.constant 320 : i32
    %dma_wait3A_115 = arith.constant 0 : i32
    %dma_wait3A_116 = tpu.memref_slice %arg10[%dma_wait3A_114, %dma_wait3A_115] : memref<400x128xf32, #tpu.memory_space<vmem>> -> memref<80x128xf32, #tpu.memory_space<vmem>>
    %dma_wait3A_117 = arith.constant 0 : i32
    %dma_wait3A_118 = arith.constant 0 : i32
    %dma_wait3A_119 = tpu.memref_slice %arg6[%dma_wait3A_117, %dma_wait3A_118] : memref<320000x128xf32, #tpu.memory_space<hbm>> -> memref<80x128xf32, #tpu.memory_space<hbm>>
    %dma_wait3A_120 = arith.constant 320 : i32
    %dma_wait3A_121 = arith.constant 0 : i32
    %dma_wait3A_122 = tpu.memref_slice %arg10[%dma_wait3A_120, %dma_wait3A_121] : memref<400x128xf32, #tpu.memory_space<vmem>> -> memref<80x128xf32, #tpu.memory_space<vmem>>
    %dma_wait3A_123 = arith.constant 0 : i32
    %dma_wait3A_124 = arith.constant 0 : i32
    %dma_wait3A_125 = tpu.memref_slice %arg6[%dma_wait3A_123, %dma_wait3A_124] : memref<320000x128xf32, #tpu.memory_space<hbm>> -> memref<80x128xf32, #tpu.memory_space<hbm>>
    tpu.wait_dma2 semaphore(%arg20 : memref<!tpu.dma_semaphore, #tpu.memory_space<semaphore_mem>>) src(%dma_wait3A_125 : memref<80x128xf32, #tpu.memory_space<hbm>>) dst(%dma_wait3A_122 : memref<80x128xf32, #tpu.memory_space<vmem>>)
    return
  }
}

module attributes {stable_mosaic.version = 14 : i64} {
  func.func @_k1_body(%arg0: i32, %arg1: memref<1x1x2560xi32, #tpu.memory_space<vmem>>, %arg2: memref<2560x128xf32, #tpu.memory_space<vmem>>, %arg3: memref<2560x128xf32, #tpu.memory_space<vmem>>, %arg4: memref<16x128xbf16, #tpu.memory_space<vmem>>, %arg5: memref<1x2xf32, #tpu.memory_space<vmem>>, %arg6: memref<312x384xf32, #tpu.memory_space<vmem>>) attributes {dimension_semantics = [#tpu.dimension_semantics<arbitrary>], iteration_bounds = array<i64: 125>, scalar_prefetch = 0 : i64, scratch_operands = 0 : i64, tpu.core_type = #tpu.core_type<tc>, window_params = [{transform_indices = @transform_0, window_bounds = array<i64: 1, 1, 2560>}, {transform_indices = @transform_1, window_bounds = array<i64: 2560, 128>}, {transform_indices = @transform_2, window_bounds = array<i64: 2560, 128>}, {pipeline_mode = #tpu.pipeline_mode<synchronous>, transform_indices = @transform_3, window_bounds = array<i64: 16, 128>}, {pipeline_mode = #tpu.pipeline_mode<synchronous>, transform_indices = @transform_4, window_bounds = array<i64: 1, 2>}, {pipeline_mode = #tpu.pipeline_mode<synchronous>, transform_indices = @transform_5, window_bounds = array<i64: 312, 384>}]} {
    %get3A = arith.constant 0 : index
    %get3A_0 = arith.constant 0 : index
    %get3A_1 = vector.load %arg2[%get3A, %get3A_0] : memref<2560x128xf32, #tpu.memory_space<vmem>>, vector<2560x128xf32>
    %convert_element_type3A = arith.truncf %get3A_1 : vector<2560x128xf32> to vector<2560x128xbf16>
    %get3A_2 = arith.constant 0 : index
    %get3A_3 = arith.constant 0 : index
    %get3A_4 = vector.load %arg3[%get3A_2, %get3A_3] : memref<2560x128xf32, #tpu.memory_space<vmem>>, vector<2560x128xf32>
    %convert_element_type3A_5 = arith.truncf %get3A_4 : vector<2560x128xf32> to vector<2560x128xbf16>
    %get3A_6 = arith.constant 0 : index
    %get3A_7 = arith.constant 0 : index
    %get3A_8 = arith.constant 0 : index
    %get3A_9 = vector.load %arg1[%get3A_6, %get3A_7, %get3A_8] : memref<1x1x2560xi32, #tpu.memory_space<vmem>>, vector<1x1x2560xi32>
    %get3A_10 = vector.shape_cast %get3A_9 : vector<1x1x2560xi32> to vector<1x2560xi32>
    %get3A_11 = arith.constant 0 : index
    %get3A_12 = arith.constant 0 : index
    %get3A_13 = vector.load %arg4[%get3A_11, %get3A_12] : memref<16x128xbf16, #tpu.memory_space<vmem>>, vector<8x128xbf16>
    %dot_general3A = arith.constant dense<0.000000e+00> : vector<8x2560xf32>
    %dot_general3A_14 = tpu.matmul %get3A_13, %convert_element_type3A, %dot_general3A {dimension_numbers = #tpu.dot_dimension_numbers<[1], [1], [0], [0], [0, 0, 1, 0], [], []>, transpose_lhs_hint = false} : vector<8x128xbf16>, vector<2560x128xbf16>, vector<8x2560xf32> -> vector<8x2560xf32>
    %get3A_15 = arith.constant 8 : index
    %get3A_16 = arith.constant 0 : index
    %get3A_17 = vector.load %arg4[%get3A_15, %get3A_16] : memref<16x128xbf16, #tpu.memory_space<vmem>>, vector<8x128xbf16>
    %dot_general3A_18 = arith.constant dense<0.000000e+00> : vector<8x2560xf32>
    %dot_general3A_19 = tpu.matmul %get3A_17, %convert_element_type3A_5, %dot_general3A_18 {dimension_numbers = #tpu.dot_dimension_numbers<[1], [1], [0], [0], [0, 0, 1, 0], [], []>, transpose_lhs_hint = false} : vector<8x128xbf16>, vector<2560x128xbf16>, vector<8x2560xf32> -> vector<8x2560xf32>
    %add3A = arith.addf %dot_general3A_14, %dot_general3A_19 : vector<8x2560xf32>
    %slice3A = vector.extract_strided_slice %add3A {offsets = [0, 0], sizes = [1, 2560], strides = [1, 1]} : vector<8x2560xf32> to vector<1x2560xf32>
    %get3A_20 = arith.constant 0 : index
    %get3A_21 = arith.constant 0 : index
    %get3A_22 = vector.load %arg5[%get3A_20, %get3A_21] : memref<1x2xf32, #tpu.memory_space<vmem>>, vector<1x1xf32>
    %get3A_23 = vector.extract %get3A_22[0, 0] : f32 from vector<1x1xf32>
    %add3A_24 = vector.broadcast %get3A_23 : f32 to vector<1x2560xf32>
    %add3A_25 = arith.addf %slice3A, %add3A_24 : vector<1x2560xf32>
    %slice3A_26 = vector.extract_strided_slice %add3A {offsets = [1, 0], sizes = [1, 2560], strides = [1, 1]} : vector<8x2560xf32> to vector<1x2560xf32>
    %get3A_27 = arith.constant 0 : index
    %get3A_28 = arith.constant 1 : index
    %get3A_29 = vector.load %arg5[%get3A_27, %get3A_28] : memref<1x2xf32, #tpu.memory_space<vmem>>, vector<1x1xf32>
    %get3A_30 = vector.extract %get3A_29[0, 0] : f32 from vector<1x1xf32>
    %add3A_31 = vector.broadcast %get3A_30 : f32 to vector<1x2560xf32>
    %add3A_32 = arith.addf %slice3A_26, %add3A_31 : vector<1x2560xf32>
    %gt3A = arith.constant 0.000000e+00 : f32
    %gt3A_33 = vector.broadcast %gt3A : f32 to vector<1x2560xf32>
    %gt3A_34 = arith.cmpf ogt, %add3A_25, %gt3A_33 : vector<1x2560xf32>
    %mul3A = arith.constant 0.00999999977 : f32
    %mul3A_35 = vector.broadcast %mul3A : f32 to vector<1x2560xf32>
    %mul3A_36 = arith.mulf %mul3A_35, %add3A_25 : vector<1x2560xf32>
    %select_n3A = arith.select %gt3A_34, %add3A_25, %mul3A_36 : vector<1x2560xi1>, vector<1x2560xf32>
    %exp3A = math.exp %select_n3A : vector<1x2560xf32>
    %convert_element_type3A_37 = arith.truncf %exp3A : vector<1x2560xf32> to vector<1x2560xbf16>
    %gt3A_38 = arith.constant 0.000000e+00 : f32
    %gt3A_39 = vector.broadcast %gt3A_38 : f32 to vector<1x2560xf32>
    %gt3A_40 = arith.cmpf ogt, %add3A_32, %gt3A_39 : vector<1x2560xf32>
    %mul3A_41 = arith.constant 0.00999999977 : f32
    %mul3A_42 = vector.broadcast %mul3A_41 : f32 to vector<1x2560xf32>
    %mul3A_43 = arith.mulf %mul3A_42, %add3A_32 : vector<1x2560xf32>
    %select_n3A_44 = arith.select %gt3A_40, %add3A_32, %mul3A_43 : vector<1x2560xi1>, vector<1x2560xf32>
    %exp3A_45 = math.exp %select_n3A_44 : vector<1x2560xf32>
    %convert_element_type3A_46 = arith.truncf %exp3A_45 : vector<1x2560xf32> to vector<1x2560xbf16>
    %iota3A = tpu.iota {dimensions = array<i32: 0>} : vector<104x2560xi32>
    %eq3A = vector.broadcast %get3A_10 : vector<1x2560xi32> to vector<104x2560xi32>
    %eq3A_47 = arith.cmpi eq, %iota3A, %eq3A : vector<104x2560xi32>
    %convert_element_type3A_48 = arith.extui %eq3A_47 : vector<104x2560xi1> to vector<104x2560xi32>
    %convert_element_type3A_49 = arith.sitofp %convert_element_type3A_48 : vector<104x2560xi32> to vector<104x2560xf32>
    %convert_element_type3A_50 = arith.truncf %convert_element_type3A_49 : vector<104x2560xf32> to vector<104x2560xbf16>
    %mul3A_51 = vector.broadcast %convert_element_type3A_37 : vector<1x2560xbf16> to vector<104x2560xbf16>
    %mul3A_52 = arith.mulf %convert_element_type3A_50, %mul3A_51 : vector<104x2560xbf16>
    %mul3A_53 = vector.broadcast %convert_element_type3A_46 : vector<1x2560xbf16> to vector<104x2560xbf16>
    %mul3A_54 = arith.mulf %convert_element_type3A_50, %mul3A_53 : vector<104x2560xbf16>
    %concatenate3A = tpu.concatenate %convert_element_type3A_50, %mul3A_52, %mul3A_54 in 0 : vector<104x2560xbf16>, vector<104x2560xbf16>, vector<104x2560xbf16> -> vector<312x2560xbf16>
    %broadcast_in_dim3A = arith.constant 1.000000e+00 : bf16
    %broadcast_in_dim3A_55 = vector.broadcast %broadcast_in_dim3A : bf16 to vector<2560x1xbf16>
    %broadcast_in_dim3A_56 = arith.constant 0.000000e+00 : bf16
    %broadcast_in_dim3A_57 = vector.broadcast %broadcast_in_dim3A_56 : bf16 to vector<2560x127xbf16>
    %concatenate3A_58 = tpu.concatenate %broadcast_in_dim3A_55, %broadcast_in_dim3A_57, %convert_element_type3A, %convert_element_type3A_5 in 1 : vector<2560x1xbf16>, vector<2560x127xbf16>, vector<2560x128xbf16>, vector<2560x128xbf16> -> vector<2560x384xbf16>
    %dot_general3A_59 = arith.constant dense<0.000000e+00> : vector<312x384xf32>
    %dot_general3A_60 = tpu.matmul %concatenate3A, %concatenate3A_58, %dot_general3A_59 {dimension_numbers = #tpu.dot_dimension_numbers<[1], [0], [0], [1], [0, 0, 1, 1], [], []>, transpose_lhs_hint = false} : vector<312x2560xbf16>, vector<2560x384xbf16>, vector<312x384xf32> -> vector<312x384xf32>
    %eq3A_61 = arith.constant 0 : i32
    %eq3A_62 = arith.cmpi eq, %arg0, %eq3A_61 : i32
    %convert_element_type3A_63 = arith.extui %eq3A_62 : i1 to i32
    %cond3A = arith.constant 0 : i32
    %cond3A_64 = arith.cmpi ne, %convert_element_type3A_63, %cond3A : i32
    scf.if %cond3A_64 {
      %broadcast_in_dim3A_71 = arith.constant 0.000000e+00 : f32
      %broadcast_in_dim3A_72 = vector.broadcast %broadcast_in_dim3A_71 : f32 to vector<312x384xf32>
      %swap3A_73 = arith.constant 0 : index
      %swap3A_74 = arith.constant 0 : index
      %swap3A_75 = vector.load %arg6[%swap3A_73, %swap3A_74] : memref<312x384xf32, #tpu.memory_space<vmem>>, vector<312x384xf32>
      tpu.vector_store %arg6[%swap3A_73, %swap3A_74], %broadcast_in_dim3A_72 {strides = array<i32>} : memref<312x384xf32, #tpu.memory_space<vmem>>, vector<312x384xf32>,
    } else {
    }
    %get3A_65 = arith.constant 0 : index
    %get3A_66 = arith.constant 0 : index
    %get3A_67 = vector.load %arg6[%get3A_65, %get3A_66] : memref<312x384xf32, #tpu.memory_space<vmem>>, vector<312x384xf32>
    %add3A_68 = arith.addf %get3A_67, %dot_general3A_60 : vector<312x384xf32>
    %swap3A = arith.constant 0 : index
    %swap3A_69 = arith.constant 0 : index
    %swap3A_70 = vector.load %arg6[%swap3A, %swap3A_69] : memref<312x384xf32, #tpu.memory_space<vmem>>, vector<312x384xf32>
    tpu.vector_store %arg6[%swap3A, %swap3A_69], %add3A_68 {strides = array<i32>} : memref<312x384xf32, #tpu.memory_space<vmem>>, vector<312x384xf32>,
    return
  }
  func.func @transform_0(%arg0: i32) -> (i32, i32, i32) {
    %c0_i32 = arith.constant 0 : i32
    %c0_i32_0 = arith.constant 0 : i32
    %c0_i32_1 = arith.constant 0 : i32
    return %arg0, %c0_i32, %c0_i32_0 : i32, i32, i32
  }
  func.func @transform_1(%arg0: i32) -> (i32, i32) {
    %c0_i32 = arith.constant 0 : i32
    %c0_i32_0 = arith.constant 0 : i32
    return %arg0, %c0_i32 : i32, i32
  }
  func.func @transform_2(%arg0: i32) -> (i32, i32) {
    %c0_i32 = arith.constant 0 : i32
    %c0_i32_0 = arith.constant 0 : i32
    return %arg0, %c0_i32 : i32, i32
  }
  func.func @transform_3(%arg0: i32) -> (i32, i32) {
    %c0_i32 = arith.constant 0 : i32
    %c0_i32_0 = arith.constant 0 : i32
    %c0_i32_1 = arith.constant 0 : i32
    return %c0_i32, %c0_i32_0 : i32, i32
  }
  func.func @transform_4(%arg0: i32) -> (i32, i32) {
    %c0_i32 = arith.constant 0 : i32
    %c0_i32_0 = arith.constant 0 : i32
    %c0_i32_1 = arith.constant 0 : i32
    return %c0_i32, %c0_i32_0 : i32, i32
  }
  func.func @transform_5(%arg0: i32) -> (i32, i32) {
    %c0_i32 = arith.constant 0 : i32
    %c0_i32_0 = arith.constant 0 : i32
    %c0_i32_1 = arith.constant 0 : i32
    return %c0_i32, %c0_i32_0 : i32, i32
  }
}

module attributes {stable_mosaic.version = 14 : i64} {
  func.func @_k2_body(%arg0: memref<312x384xf32, #tpu.memory_space<vmem>>, %arg1: memref<128x256xf32, #tpu.memory_space<vmem>>, %arg2: memref<1x128xf32, #tpu.memory_space<vmem>>, %arg3: memref<128x128xf32, #tpu.memory_space<vmem>>, %arg4: memref<128x128xf32, #tpu.memory_space<vmem>>, %arg5: memref<1x128xf32, #tpu.memory_space<vmem>>, %arg6: memref<104x128xf32, #tpu.memory_space<vmem>>) attributes {dimension_semantics = [], scalar_prefetch = 0 : i64, scratch_operands = 0 : i64, tpu.core_type = #tpu.core_type<tc>} {
    %get3A = arith.constant 0 : index
    %get3A_0 = arith.constant 0 : index
    %get3A_1 = vector.load %arg0[%get3A, %get3A_0] : memref<312x384xf32, #tpu.memory_space<vmem>>, vector<312x384xf32>
    %slice3A = vector.extract_strided_slice %get3A_1 {offsets = [0, 0], sizes = [104, 1], strides = [1, 1]} : vector<312x384xf32> to vector<104x1xf32>
    %slice3A_2 = vector.extract_strided_slice %get3A_1 {offsets = [104, 0], sizes = [104, 1], strides = [1, 1]} : vector<312x384xf32> to vector<104x1xf32>
    %slice3A_3 = vector.extract_strided_slice %get3A_1 {offsets = [208, 0], sizes = [104, 1], strides = [1, 1]} : vector<312x384xf32> to vector<104x1xf32>
    %slice3A_4 = vector.extract_strided_slice %get3A_1 {offsets = [0, 128], sizes = [104, 128], strides = [1, 1]} : vector<312x384xf32> to vector<104x128xf32>
    %slice3A_5 = vector.extract_strided_slice %get3A_1 {offsets = [0, 256], sizes = [104, 128], strides = [1, 1]} : vector<312x384xf32> to vector<104x128xf32>
    %slice3A_6 = vector.extract_strided_slice %get3A_1 {offsets = [104, 128], sizes = [104, 128], strides = [1, 1]} : vector<312x384xf32> to vector<104x128xf32>
    %slice3A_7 = vector.extract_strided_slice %get3A_1 {offsets = [208, 256], sizes = [104, 128], strides = [1, 1]} : vector<312x384xf32> to vector<104x128xf32>
    %max3A = arith.constant 1.000000e+00 : f32
    %max3A_8 = vector.broadcast %max3A : f32 to vector<104x1xf32>
    %max3A_9 = arith.maximumf %slice3A, %max3A_8 : vector<104x1xf32>
    %div3A = vector.broadcast %max3A_9 : vector<104x1xf32> to vector<104x128xf32>
    %div3A_10 = arith.divf %slice3A_4, %div3A : vector<104x128xf32>
    %div3A_11 = vector.broadcast %max3A_9 : vector<104x1xf32> to vector<104x128xf32>
    %div3A_12 = arith.divf %slice3A_5, %div3A_11 : vector<104x128xf32>
    %get3A_13 = arith.constant 0 : index
    %get3A_14 = arith.constant 0 : index
    %get3A_15 = vector.load %arg1[%get3A_13, %get3A_14] : memref<128x256xf32, #tpu.memory_space<vmem>>, vector<128x256xf32>
    %slice3A_16 = vector.extract_strided_slice %get3A_15 {offsets = [0, 0], sizes = [128, 128], strides = [1, 1]} : vector<128x256xf32> to vector<128x128xf32>
    %dot_general3A = arith.constant dense<0.000000e+00> : vector<104x128xf32>
    %dot_general3A_17 = tpu.matmul %div3A_10, %slice3A_16, %dot_general3A {dimension_numbers = #tpu.dot_dimension_numbers<[1], [1], [0], [0], [0, 0, 1, 0], [], []>, transpose_lhs_hint = false} : vector<104x128xf32>, vector<128x128xf32>, vector<104x128xf32> -> vector<104x128xf32>
    %slice3A_18 = vector.extract_strided_slice %get3A_15 {offsets = [0, 128], sizes = [128, 128], strides = [1, 1]} : vector<128x256xf32> to vector<128x128xf32>
    %dot_general3A_19 = arith.constant dense<0.000000e+00> : vector<104x128xf32>
    %dot_general3A_20 = tpu.matmul %div3A_12, %slice3A_18, %dot_general3A_19 {dimension_numbers = #tpu.dot_dimension_numbers<[1], [1], [0], [0], [0, 0, 1, 0], [], []>, transpose_lhs_hint = false} : vector<104x128xf32>, vector<128x128xf32>, vector<104x128xf32> -> vector<104x128xf32>
    %add3A = arith.addf %dot_general3A_17, %dot_general3A_20 : vector<104x128xf32>
    %get3A_21 = arith.constant 0 : index
    %get3A_22 = arith.constant 0 : index
    %get3A_23 = vector.load %arg2[%get3A_21, %get3A_22] : memref<1x128xf32, #tpu.memory_space<vmem>>, vector<1x128xf32>
    %add3A_24 = vector.broadcast %get3A_23 : vector<1x128xf32> to vector<104x128xf32>
    %add3A_25 = arith.addf %add3A, %add3A_24 : vector<104x128xf32>
    %gt3A = arith.constant 0.000000e+00 : f32
    %gt3A_26 = vector.broadcast %gt3A : f32 to vector<104x1xf32>
    %gt3A_27 = arith.cmpf ogt, %slice3A_2, %gt3A_26 : vector<104x1xf32>
    %max3A_28 = arith.constant 1.000000e-30 : f32
    %max3A_29 = vector.broadcast %max3A_28 : f32 to vector<104x1xf32>
    %max3A_30 = arith.maximumf %slice3A_2, %max3A_29 : vector<104x1xf32>
    %div3A_31 = vector.broadcast %max3A_30 : vector<104x1xf32> to vector<104x128xf32>
    %div3A_32 = arith.divf %slice3A_6, %div3A_31 : vector<104x128xf32>
    %jit3A = arith.constant 0.000000e+00 : f32
    %broadcast_in_dim3A = vector.shape_cast %gt3A_27 : vector<104x1xi1> to vector<104x1xi1>
    %broadcast_in_dim3A_33 = vector.broadcast %broadcast_in_dim3A : vector<104x1xi1> to vector<104x128xi1>
    %broadcast_in_dim3A_34 = vector.broadcast %jit3A : f32 to vector<104x128xf32>
    %select_n3A = arith.select %broadcast_in_dim3A_33, %div3A_32, %broadcast_in_dim3A_34 : vector<104x128xi1>, vector<104x128xf32>
    %gt3A_35 = arith.constant 0.000000e+00 : f32
    %gt3A_36 = vector.broadcast %gt3A_35 : f32 to vector<104x1xf32>
    %gt3A_37 = arith.cmpf ogt, %slice3A_3, %gt3A_36 : vector<104x1xf32>
    %max3A_38 = arith.constant 1.000000e-30 : f32
    %max3A_39 = vector.broadcast %max3A_38 : f32 to vector<104x1xf32>
    %max3A_40 = arith.maximumf %slice3A_3, %max3A_39 : vector<104x1xf32>
    %div3A_41 = vector.broadcast %max3A_40 : vector<104x1xf32> to vector<104x128xf32>
    %div3A_42 = arith.divf %slice3A_7, %div3A_41 : vector<104x128xf32>
    %jit3A_43 = arith.constant 0.000000e+00 : f32
    %broadcast_in_dim3A_44 = vector.shape_cast %gt3A_37 : vector<104x1xi1> to vector<104x1xi1>
    %broadcast_in_dim3A_45 = vector.broadcast %broadcast_in_dim3A_44 : vector<104x1xi1> to vector<104x128xi1>
    %broadcast_in_dim3A_46 = vector.broadcast %jit3A_43 : f32 to vector<104x128xf32>
    %select_n3A_47 = arith.select %broadcast_in_dim3A_45, %div3A_42, %broadcast_in_dim3A_46 : vector<104x128xi1>, vector<104x128xf32>
    %get3A_48 = arith.constant 0 : index
    %get3A_49 = arith.constant 0 : index
    %get3A_50 = vector.load %arg3[%get3A_48, %get3A_49] : memref<128x128xf32, #tpu.memory_space<vmem>>, vector<128x128xf32>
    %dot_general3A_51 = arith.constant dense<0.000000e+00> : vector<104x128xf32>
    %dot_general3A_52 = tpu.matmul %select_n3A, %get3A_50, %dot_general3A_51 {dimension_numbers = #tpu.dot_dimension_numbers<[1], [1], [0], [0], [0, 0, 1, 0], [], []>, transpose_lhs_hint = false} : vector<104x128xf32>, vector<128x128xf32>, vector<104x128xf32> -> vector<104x128xf32>
    %get3A_53 = arith.constant 0 : index
    %get3A_54 = arith.constant 0 : index
    %get3A_55 = vector.load %arg4[%get3A_53, %get3A_54] : memref<128x128xf32, #tpu.memory_space<vmem>>, vector<128x128xf32>
    %dot_general3A_56 = arith.constant dense<0.000000e+00> : vector<104x128xf32>
    %dot_general3A_57 = tpu.matmul %select_n3A_47, %get3A_55, %dot_general3A_56 {dimension_numbers = #tpu.dot_dimension_numbers<[1], [1], [0], [0], [0, 0, 1, 0], [], []>, transpose_lhs_hint = false} : vector<104x128xf32>, vector<128x128xf32>, vector<104x128xf32> -> vector<104x128xf32>
    %gt3A_58 = arith.constant 0.000000e+00 : f32
    %gt3A_59 = vector.broadcast %gt3A_58 : f32 to vector<104x1xf32>
    %gt3A_60 = arith.cmpf ogt, %slice3A, %gt3A_59 : vector<104x1xf32>
    %convert_element_type3A = arith.extui %gt3A_60 : vector<104x1xi1> to vector<104x1xi32>
    %convert_element_type3A_61 = arith.sitofp %convert_element_type3A : vector<104x1xi32> to vector<104x1xf32>
    %add3A_62 = arith.addf %dot_general3A_52, %dot_general3A_57 : vector<104x128xf32>
    %add3A_63 = arith.constant 1.000000e+00 : f32
    %add3A_64 = vector.broadcast %add3A_63 : f32 to vector<104x1xf32>
    %add3A_65 = arith.addf %add3A_64, %convert_element_type3A_61 : vector<104x1xf32>
    %mul3A = vector.broadcast %add3A_65 : vector<104x1xf32> to vector<104x128xf32>
    %mul3A_66 = arith.mulf %add3A_25, %mul3A : vector<104x128xf32>
    %add3A_67 = arith.addf %add3A_62, %mul3A_66 : vector<104x128xf32>
    %get3A_68 = arith.constant 0 : index
    %get3A_69 = arith.constant 0 : index
    %get3A_70 = vector.load %arg5[%get3A_68, %get3A_69] : memref<1x128xf32, #tpu.memory_space<vmem>>, vector<1x128xf32>
    %add3A_71 = vector.broadcast %get3A_70 : vector<1x128xf32> to vector<104x128xf32>
    %add3A_72 = arith.addf %add3A_67, %add3A_71 : vector<104x128xf32>
    %swap3A = arith.constant 0 : index
    %swap3A_73 = arith.constant 0 : index
    %swap3A_74 = vector.load %arg6[%swap3A, %swap3A_73] : memref<104x128xf32, #tpu.memory_space<vmem>>, vector<104x128xf32>
    tpu.vector_store %arg6[%swap3A, %swap3A_73], %add3A_72 {strides = array<i32>} : memref<104x128xf32, #tpu.memory_space<vmem>>, vector<104x128xf32>,
    return
  }
}

module attributes {stable_mosaic.version = 14 : i64} {
  func.func @_k3_body(%arg0: i32, %arg1: memref<1x1x2560xi32, #tpu.memory_space<vmem>>, %arg2: memref<2560x128xf32, #tpu.memory_space<vmem>>, %arg3: memref<2560x128xf32, #tpu.memory_space<vmem>>, %arg4: memref<104x128xf32, #tpu.memory_space<vmem>>, %arg5: memref<128x128xbf16, #tpu.memory_space<vmem>>, %arg6: memref<128x128xbf16, #tpu.memory_space<vmem>>, %arg7: memref<2560x128xf32, #tpu.memory_space<vmem>>) attributes {dimension_semantics = [#tpu.dimension_semantics<arbitrary>], iteration_bounds = array<i64: 125>, scalar_prefetch = 0 : i64, scratch_operands = 0 : i64, tpu.core_type = #tpu.core_type<tc>, window_params = [{transform_indices = @transform_0, window_bounds = array<i64: 1, 1, 2560>}, {transform_indices = @transform_1, window_bounds = array<i64: 2560, 128>}, {transform_indices = @transform_2, window_bounds = array<i64: 2560, 128>}, {pipeline_mode = #tpu.pipeline_mode<synchronous>, transform_indices = @transform_3, window_bounds = array<i64: 104, 128>}, {pipeline_mode = #tpu.pipeline_mode<synchronous>, transform_indices = @transform_4, window_bounds = array<i64: 128, 128>}, {pipeline_mode = #tpu.pipeline_mode<synchronous>, transform_indices = @transform_5, window_bounds = array<i64: 128, 128>}, {transform_indices = @transform_6, window_bounds = array<i64: 2560, 128>}]} {
    %get3A = arith.constant 0 : index
    %get3A_0 = arith.constant 0 : index
    %get3A_1 = arith.constant 0 : index
    %get3A_2 = vector.load %arg1[%get3A, %get3A_0, %get3A_1] : memref<1x1x2560xi32, #tpu.memory_space<vmem>>, vector<1x1x2560xi32>
    %get3A_3 = vector.shape_cast %get3A_2 : vector<1x1x2560xi32> to vector<1x2560xi32>
    %iota3A = tpu.iota {dimensions = array<i32: 0>} : vector<104x2560xi32>
    %eq3A = vector.broadcast %get3A_3 : vector<1x2560xi32> to vector<104x2560xi32>
    %eq3A_4 = arith.cmpi eq, %iota3A, %eq3A : vector<104x2560xi32>
    %convert_element_type3A = arith.extui %eq3A_4 : vector<104x2560xi1> to vector<104x2560xi32>
    %convert_element_type3A_5 = arith.sitofp %convert_element_type3A : vector<104x2560xi32> to vector<104x2560xf32>
    %convert_element_type3A_6 = arith.truncf %convert_element_type3A_5 : vector<104x2560xf32> to vector<104x2560xbf16>
    %get3A_7 = arith.constant 0 : index
    %get3A_8 = arith.constant 0 : index
    %get3A_9 = vector.load %arg4[%get3A_7, %get3A_8] : memref<104x128xf32, #tpu.memory_space<vmem>>, vector<104x128xf32>
    %convert_element_type3A_10 = arith.truncf %get3A_9 : vector<104x128xf32> to vector<104x128xbf16>
    %dot_general3A = arith.constant dense<0.000000e+00> : vector<2560x128xf32>
    %dot_general3A_11 = tpu.matmul %convert_element_type3A_6, %convert_element_type3A_10, %dot_general3A {dimension_numbers = #tpu.dot_dimension_numbers<[0], [0], [1], [1], [0, 1, 1, 1], [], []>, transpose_lhs_hint = false} : vector<104x2560xbf16>, vector<104x128xbf16>, vector<2560x128xf32> -> vector<2560x128xf32>
    %get3A_12 = arith.constant 0 : index
    %get3A_13 = arith.constant 0 : index
    %get3A_14 = vector.load %arg3[%get3A_12, %get3A_13] : memref<2560x128xf32, #tpu.memory_space<vmem>>, vector<2560x128xf32>
    %convert_element_type3A_15 = arith.truncf %get3A_14 : vector<2560x128xf32> to vector<2560x128xbf16>
    %get3A_16 = arith.constant 0 : index
    %get3A_17 = arith.constant 0 : index
    %get3A_18 = vector.load %arg5[%get3A_16, %get3A_17] : memref<128x128xbf16, #tpu.memory_space<vmem>>, vector<128x128xbf16>
    %dot_general3A_19 = arith.constant dense<0.000000e+00> : vector<2560x128xf32>
    %dot_general3A_20 = tpu.matmul %convert_element_type3A_15, %get3A_18, %dot_general3A_19 {dimension_numbers = #tpu.dot_dimension_numbers<[1], [1], [0], [0], [0, 0, 1, 0], [], []>, transpose_lhs_hint = false} : vector<2560x128xbf16>, vector<128x128xbf16>, vector<2560x128xf32> -> vector<2560x128xf32>
    %get3A_21 = arith.constant 0 : index
    %get3A_22 = arith.constant 0 : index
    %get3A_23 = vector.load %arg2[%get3A_21, %get3A_22] : memref<2560x128xf32, #tpu.memory_space<vmem>>, vector<2560x128xf32>
    %convert_element_type3A_24 = arith.truncf %get3A_23 : vector<2560x128xf32> to vector<2560x128xbf16>
    %get3A_25 = arith.constant 0 : index
    %get3A_26 = arith.constant 0 : index
    %get3A_27 = vector.load %arg6[%get3A_25, %get3A_26] : memref<128x128xbf16, #tpu.memory_space<vmem>>, vector<128x128xbf16>
    %dot_general3A_28 = arith.constant dense<0.000000e+00> : vector<2560x128xf32>
    %dot_general3A_29 = tpu.matmul %convert_element_type3A_24, %get3A_27, %dot_general3A_28 {dimension_numbers = #tpu.dot_dimension_numbers<[1], [1], [0], [0], [0, 0, 1, 0], [], []>, transpose_lhs_hint = false} : vector<2560x128xbf16>, vector<128x128xbf16>, vector<2560x128xf32> -> vector<2560x128xf32>
    %add3A = arith.addf %dot_general3A_11, %dot_general3A_20 : vector<2560x128xf32>
    %add3A_30 = arith.addf %add3A, %dot_general3A_29 : vector<2560x128xf32>
    %swap3A = arith.constant 0 : index
    %swap3A_31 = arith.constant 0 : index
    %swap3A_32 = vector.load %arg7[%swap3A, %swap3A_31] : memref<2560x128xf32, #tpu.memory_space<vmem>>, vector<2560x128xf32>
    tpu.vector_store %arg7[%swap3A, %swap3A_31], %add3A_30 {strides = array<i32>} : memref<2560x128xf32, #tpu.memory_space<vmem>>, vector<2560x128xf32>,
    return
  }
  func.func @transform_0(%arg0: i32) -> (i32, i32, i32) {
    %c0_i32 = arith.constant 0 : i32
    %c0_i32_0 = arith.constant 0 : i32
    %c0_i32_1 = arith.constant 0 : i32
    return %arg0, %c0_i32, %c0_i32_0 : i32, i32, i32
  }
  func.func @transform_1(%arg0: i32) -> (i32, i32) {
    %c0_i32 = arith.constant 0 : i32
    %c0_i32_0 = arith.constant 0 : i32
    return %arg0, %c0_i32 : i32, i32
  }
  func.func @transform_2(%arg0: i32) -> (i32, i32) {
    %c0_i32 = arith.constant 0 : i32
    %c0_i32_0 = arith.constant 0 : i32
    return %arg0, %c0_i32 : i32, i32
  }
  func.func @transform_3(%arg0: i32) -> (i32, i32) {
    %c0_i32 = arith.constant 0 : i32
    %c0_i32_0 = arith.constant 0 : i32
    %c0_i32_1 = arith.constant 0 : i32
    return %c0_i32, %c0_i32_0 : i32, i32
  }
  func.func @transform_4(%arg0: i32) -> (i32, i32) {
    %c0_i32 = arith.constant 0 : i32
    %c0_i32_0 = arith.constant 0 : i32
    %c0_i32_1 = arith.constant 0 : i32
    return %c0_i32, %c0_i32_0 : i32, i32
  }
  func.func @transform_5(%arg0: i32) -> (i32, i32) {
    %c0_i32 = arith.constant 0 : i32
    %c0_i32_0 = arith.constant 0 : i32
    %c0_i32_1 = arith.constant 0 : i32
    return %c0_i32, %c0_i32_0 : i32, i32
  }
  func.func @transform_6(%arg0: i32) -> (i32, i32) {
    %c0_i32 = arith.constant 0 : i32
    %c0_i32_0 = arith.constant 0 : i32
    return %arg0, %c0_i32 : i32, i32
  }
}

</mosaic_0001>

<sc_bundles>
// kernel: kernel.6.cloned.1.call-start
scs
__scs_entry_jumppad:
0x0: {  	(pc) =	sbr.rel $0x88, $3  }
0x1: {  	(tag) =	ssettag $0x0;
	lr =	simm.s32 $0x1  }
0x2: {  	[smem:$0x3F94] =	sst lr;
	_ =	strace $0xD0000000  }
0x3: {  	_ = 	snop  }
0x4: {  	_ = 	snop  }
0x5: {  	_ = 	snop  }
0x6: {  	_ = 	snop  }
0x7: {  	_ = 	snop  }
__scs_overlays_trampoline_lowered:
0x8: {  	[smem:$0x3FA3] =	sst s0  }
0x9: {  	[smem:$0x3FA4] =	sst s1  }
0xa: {  	[smem:$0x3FA5] =	sst s2  }
0xb: {  	[smem:$0x3FA6] =	sst s3  }
0xc: {  	[smem:$0x3FA7] =	sst s4  }
0xd: {  	[smem:$0x3FA8] =	sst s5  }
0xe: {  	[smem:$0x3FA9] =	sst s6  }
0xf: {  	[smem:$0x3FAA] =	sst s7  }
0x10: {  	[smem:$0x3FAB] =	sst s8  }
0x11: {  	[smem:$0x3FAC] =	sst s9;
	s0 =	simm.s32 @!p0 $0x0  }
0x12: {  	s1 =	sld [smem:$0x3F92];
	s0 =	simm.s32 @p0 $0x1  }
0x13: {  	[smem:$0x3FAD] =	sst s0;
	s0 =	simm.s32 @!p1 $0x0  }
0x14: {  	s2 =	sld [smem:$0x3F91];
	s0 =	simm.s32 @p1 $0x1  }
0x15: {  	[smem:$0x3FAE] =	sst s0;
	s0 =	simm.s32 @!p2 $0x0  }
0x16: {  	s3 =	sld [smem:$0x3FDB];
	s0 =	simm.s32 @p2 $0x1  }
0x17: {  	s4 =	simm.s32 $0x1BF5;
	[smem:$0x3FB0] =	sst s0  }
0x18: {  	s0 =	sld [smem:$0x3F93];
	_ =	swait.ge [sflag:s4], $0x0  }
0x19: {  	s7 =	sld [smem:$0x3F94]  }
0x1a: {  	s8 =	sadd.s32 $0xFFFFE003, lr  }
0x1b: {  	s9 =	sadd.s32 $0xFFFFFEF7, lr;
	s5 =	simm.s32 $0xFFFFFFFF;
	p2 =	slt.u32 s8, $0xFFFFF086  }
0x1c: {  	p1 =	slt.u32 s9, $0xF7A;
	s5 =	simm.s32 @!p2 $0x0  }
0x1d: {  	s5 =	simm.s32 @p1 $0x1;
	p0 =	seq.s32 s7, s2  }
0x1e: {  	s7 =	smul.u32 @!p0 $0xF7A, s2;
	p2 =	seq.s32 @!p0 s5, $0x0  }
0x1f: {  	s9 =	smul.u32 $0xF7A, s1;
	s8 =	simm.s32 @!p0 $0x1BF5;
	p2 =	por !p2, p0  }
0x20: {  	[sflag:s8] =	ssyncset.s32 @!p0 $0xFFFFF086;
	s6 =	sadd.s32 @!p0 s3, s7;
	s7 =	simm.s32 @!p0 $0x108  }
0x21: {  	s3 =	sadd.s32 s3, s9;
	s6 =	sadd.s32 @!p0 $0x88, s6;
	s7 =	simm.s32 @p2 $0x1082  }
0x22: {  	[simem:s7], [sflag:s8] =	dma.local @!p0 [hbm:s6], $0xF7A  }
0x23: {  	s9 =	sor.u32 $0xD0000000, s2;
	s6 =	simm.s32 $0x108;
	_ =	swait.ge @!p0 [sflag:s8], $0x0  }
0x24: {  	s3 =	sadd.s32 $0x88, s3;
	s6 =	simm.s32 @!p1 $0x1082;
	[sflag:s4] =	ssyncset.s32 $0xFFFFF086  }
0x25: {  	[simem:s6], [sflag:s4] =	dma.local [hbm:s3], $0xF7A  }
0x26: {  	[smem:$0x3F94] =	sst s1;
	(tag) =	ssettag s2;
	_ =	strace s9  }
0x27: {  	s1 =	sld [smem:$0x3FA4]  }
0x28: {  	s2 =	sld [smem:$0x3FA5]  }
0x29: {  	s4 =	sld [smem:$0x3FA7]  }
0x2a: {  	p0 =	seq.s32 s5, $0x0;
	s5 =	sld [smem:$0x3FA8]  }
0x2b: {  	s6 =	sld [smem:$0x3FA9]  }
0x2c: {  	s7 =	sld [smem:$0x3FAA]  }
0x2d: {  	s3 =	simm.s32 $0x108;
	s8 =	sld [smem:$0x3FAB]  }
0x2e: {  	s3 =	simm.s32 @!p0 $0x1082;
	s9 =	sld [smem:$0x3FAC]  }
0x2f: {  	lr =	sadd.s32 s0, s3;
	s0 =	sld [smem:$0x3FA3]  }
0x30: {  	s3 =	sld [smem:$0x3FA6]  }
0x31: {  	[smem:$0x3FAF] =	sst s10  }
0x32: {  	s10 =	sld [smem:$0x3FAD];
	_ =	sdelay $0x3  }
0x33: {  	p0 =	seq.s32 s10, $0x1;
	s10 =	sld [smem:$0x3FAF];
	_ =	sdelay $0x3  }
0x34: {  	[smem:$0x3FAF] =	sst s10  }
0x35: {  	s10 =	sld [smem:$0x3FAE];
	_ =	sdelay $0x3  }
0x36: {  	p1 =	seq.s32 s10, $0x1;
	s10 =	sld [smem:$0x3FAF];
	_ =	sdelay $0x3  }
0x37: {  	[smem:$0x3FAF] =	sst s10  }
0x38: {  	s10 =	sld [smem:$0x3FB0]  }
0x39: {  	_ = 	snop;
	(pc) =	sbr.ind lr, $3  }
0x3a: {  	_ = 	snop  }
0x3b: {  	_ = 	snop  }
0x3c: {  	p2 =	seq.s32 s10, $0x1;
	s10 =	sld [smem:$0x3FAF]  }
0x3d: {  	_ =	shalt  }
0x3e: {  	_ =	shalt  }
0x3f: {  	_ =	shalt  }
0x40: {  	_ =	shalt  }
0x41: {  	_ =	shalt  }
0x42: {  	_ =	shalt  }
0x43: {  	_ =	shalt  }
0x44: {  	_ =	shalt  }
0x45: {  	_ =	shalt  }
0x46: {  	_ =	shalt  }
0x47: {  	_ =	shalt  }
0x48: {  	_ =	shalt  }
0x49: {  	_ =	shalt  }
0x4a: {  	_ =	shalt  }
0x4b: {  	_ =	shalt  }
0x4c: {  	_ =	shalt  }
0x4d: {  	_ =	shalt  }
0x4e: {  	_ =	shalt  }
0x4f: {  	_ =	shalt  }
0x50: {  	_ =	shalt  }
0x51: {  	_ =	shalt  }
0x52: {  	_ =	shalt  }
0x53: {  	_ =	shalt  }
0x54: {  	_ =	shalt  }
0x55: {  	_ =	shalt  }
0x56: {  	_ =	shalt  }
0x57: {  	_ =	shalt  }
0x58: {  	_ =	shalt  }
0x59: {  	_ =	shalt  }
0x5a: {  	_ =	shalt  }
0x5b: {  	_ =	shalt  }
0x5c: {  	_ =	shalt  }
0x5d: {  	_ =	shalt  }
0x5e: {  	_ =	shalt  }
0x5f: {  	_ =	shalt  }
0x60: {  	_ =	shalt  }
0x61: {  	_ =	shalt  }
0x62: {  	_ =	shalt  }
0x63: {  	_ =	shalt  }
0x64: {  	_ =	shalt  }
0x65: {  	_ =	shalt  }
0x66: {  	_ =	shalt  }
0x67: {  	_ =	shalt  }
0x68: {  	_ =	shalt  }
0x69: {  	_ =	shalt  }
0x6a: {  	_ =	shalt  }
0x6b: {  	_ =	shalt  }
0x6c: {  	_ =	shalt  }
0x6d: {  	_ =	shalt  }
0x6e: {  	_ =	shalt  }
0x6f: {  	_ =	shalt  }
0x70: {  	_ =	shalt  }
0x71: {  	_ =	shalt  }
0x72: {  	_ =	shalt  }
0x73: {  	_ =	shalt  }
0x74: {  	_ =	shalt  }
0x75: {  	_ =	shalt  }
0x76: {  	_ =	shalt  }
0x77: {  	_ =	shalt  }
0x78: {  	_ =	shalt  }
0x79: {  	_ =	shalt  }
0x7a: {  	_ =	shalt  }
0x7b: {  	_ =	shalt  }
0x7c: {  	_ =	shalt  }
0x7d: {  	_ =	shalt  }
0x7e: {  	_ =	shalt  }
0x7f: {  	_ =	shalt  }
0x80: {  	_ =	shalt  }
0x81: {  	_ =	shalt  }
0x82: {  	_ =	shalt  }
0x83: {  	_ =	shalt  }
0x84: {  	_ =	shalt  }
0x85: {  	_ =	shalt  }
0x86: {  	_ =	shalt  }
0x87: {  	_ =	shalt  }
.Lfunc_end0:
.L_simem_size_0:
called_computation_lowered:
.L_overlay_start_0:
0x88: {  	s2 =	sld [smem:$0x3FD9]  }
0x89: {  	s3 =	sld [smem:$0x3FFE];
	_ =	sdelay $0x1  }
0x8a: {  	s1 =	srdreg.scid  }
0x8b: {  	s0 =	sand.u32 $0x1, s1  }
0x8c: {  	s17 =	sshll.u32 s0, $0xA;
	s2 =	sadd.s32 s3, s2  }
0x8d: {  	s2 =	sadd.s32 s2, s17  }
0x8e: {  	[smem:$0x3FBB] =	sst s2  }
0x8f: {  	_ = 	snop  }
0x90: {  	s2 =	sld [smem:$0x3FC9]  }
0x91: {  	s18 =	sld [smem:$0x3FD0];
	(tm) =	ssettm $0x1  }
0x92: {  	s4 =	sld [smem:$0x3FFB];
	_ =	sdelay $0x3  }
0x93: {  	_ =	strace s4  }
0x94: {  	s4 =	sld [smem:$0x3FFC];
	_ =	sdelay $0x3  }
0x95: {  	_ =	strace s4  }
0x96: {  	s4 =	sld [smem:$0x3FFD];
	_ =	sdelay $0x3  }
0x97: {  	_ =	strace s4  }
0x98: {  	_ =	strace $0x8FFFFFFF  }
0x99: {  	s19 =	sld [smem:$0x3FDB];
	_ =	sdelay $0x1  }
0x9a: {  	s5 =	simm.s32 $_scs_section_size  }
0x9b: {  	s6 =	simm.s32 $_size__tile_overlayer_lowered;
	s7 =	simm.s32 $_tile_overlayer_lowered  }
0x9c: {  	s22 =	simm.s32 $0x1BFF;
	s21 =	sshll.u32 s7, $0x1;
	s4 =	sadd.s32 s5, s19  }
0x9d: {  	s8 =	simm.s32 $0x0;
	s20 =	sshll.u32 s6, $0x1;
	s6 =	sadd.s32 s21, s4  }
0x9e: {  	[timem:s8], [sflag:s22] =	dma.local [hbm:s6], s20  }
0x9f: {  	_ =	swait.ge [sflag:s22], s20  }
0xa0: {  	s5 =	ssub.s32 $0x0, s20;
	[sflag:s22] =	ssyncset.done $0x0  }
0xa1: {  	[sflag:s22] =	ssyncadd.s32 s5;
	_ =	sdelay $0x1  }
0xa2: {  	s23 =	simm.s32 $0x1B8B  }
0xa3: {  	_ =	swait.ge [sflag:s23], $0x1  }
0xa4: {  	[sflag:s23] =	ssyncset.done $0x0  }
0xa5: {  	s25 =	simm.s32 $0x1B8E;
	s24 =	sld [smem:$0x3FFE];
	[sflag:s23] =	ssyncadd.s32 $0xFFFFFFFF  }
0xa6: {  	s26 =	simm.s32 $execute0_lowered;
	[smem:$0x3FD2] =	sst s25  }
0xa7: {  	s6 =	sshll.u32 s26, $0x1;
	_ =	strace $0x80000046;
	[dreg:$0x1] =	wrdreg $0xFFFFFFFF  }
0xa8: {  	s28 =	simm.s32 $_size_execute0_lowered;
	s4 =	sadd.s32 s4, s6;
	[dreg:$0x0] =	wrdreg $0x0  }
0xa9: {  	s6 =	sshll.u32 s28, $0x1;
	[dreg:$0x2] =	wrdreg s4  }
0xaa: {  	[dreg:$0x3] =	wrdreg s6  }
0xab: {  	[dreg:$0x4] =	wrdreg $0xC0  }
0xac: {  	_ =	task [dreg:s8], $0x5FFFF  }
0xad: {  	[dreg:$0x1] =	wrdreg $0xFFFFFFFF  }
0xae: {  	[dreg:$0x0] =	wrdreg $0x60  }
0xaf: {  	[dreg:$0x2] =	wrdreg s2  }
0xb0: {  	[dreg:$0x3] =	wrdreg s24  }
0xb1: {  	[dreg:$0x4] =	wrdreg s18  }
0xb2: {  	[dreg:$0x5] =	wrdreg $0x9  }
0xb3: {  	_ =	task.clear_ibuf [dreg:s8], $0x6FFFF;
	_ =	strace $0x90000046  }
0xb4: {  	s29 =	simm.s32 $0x9;
	_ =	strace $0x80000048  }
0xb5: {  	_ =	swait.ge [sflag:s29], $0x1  }
0xb6: {  	[sflag:s29] =	ssyncadd.s32 $0xFFFFFFFF  }
0xb7: {  	_ =	strace $0x90000048  }
0xb8: {  	_ =	sfence  }
0xb9: {  	s30 =	sld [smem:$0x0];
	_ =	sdelay $0x2  }
0xba: {  	s31 =	sshll.u32 s1, $0xD;
	s1 =	sshrl.u32 s1, $0x2  }
0xbb: {  	s3 =	sand.u32 $0x4000, s31;
	s1 =	sadd.s32 s1, s30  }
0xbc: {  	s0 =	sor.u32 s3, s0;
	s1 =	sshll.u32 s1, $0x11  }
0xbd: {  	s0 =	sor.u32 s1, s0  }
0xbe: {  	s0 =	sadd.s32 $0x8F2B, s0  }
0xbf: {  	[sflag:s0] =	ssyncadd.remote.s32 $0x1  }
0xc0: {  	_ =	sfence.sel $0xFFFF  }
0xc1: {  	[dreg:$0x0] =	wrdreg $0xFFFFFFFF;
	(pc) =	sbr.abs _section_cstart, $3  }
0xc2: {  	[dreg:$0x1] =	wrdreg $0xFFFFFFFF  }
0xc3: {  	_ =	task.clear_ibuf [dreg:s8], $0x2FFFF;
	_ =	strace $0x9FFFFFFF  }
0xc4: {  	(tm) =	ssettm $0x7FFFFFFF  }
0xc5: {  	_ =	shalt  }
tec
execute0_lowered:
.L_overlay_start_1:
0x0: {  	(tag) =	ssettag $0x1  }
0x1: {  	s1 =	rddreg [dreg:$0x0]  }
0x2: {  	s0 =	srdreg.scid;
	s2 =	rddreg [dreg:$0x1]  }
0x3: {  	s6 =	stileid.u32;
	s4 =	rddreg [dreg:$0x2]  }
0x4: {  	s12 =	simm.s32 $0x50;
	s13 =	simm.s32 $0x7700;
	s14 =	simm.s32 $0x13F00  }
0x5: {  	s15 =	simm.s32 $0x9F00;
	s16 =	simm.s32 $0x16700;
	s17 =	simm.s32 $0xC700  }
0x6: {  	s18 =	simm.s32 $0x18F00;
	s19 =	simm.s32 $0xEF00;
	s25 =	simm.s32 $0x4F00  }
0x7: {  	s26 =	simm.s32 $0x11700;
	s28 =	simm.s32 $0x7;
	s29 =	simm.s32 $0x8  }
0x8: {  	s30 =	simm.s32 $0x9;
	s0 =	sand.u32 $0x1, s0;
	s3 =	sshll.u32 s6, $0x1  }
0x9: {  	s6 =	smul.u32 $0x4E200, s6;
	s5 =	sor.u32 s0, s3;
	s3 =	simm.s32 $0x0  }
0xa: {  	s31 =	simm.s32 $0xA;
	s5 =	smul.u32 $0x2710, s5;
	[smem:$0x7FF] =	sst s3  }
0xb: {  	s7 =	ssub.s32 $0x2, s0;
	_ =	strace $0x80000047;
	[dreg:$0x4] =	wrdreg s25  }
0xc: {  	s20 =	sshrl.u32 s7, $0x1;
	[dreg:$0x5] =	wrdreg s26;
	s5 =	sshrl.u32 s5, $0x3  }
0xd: {  	s8 =	sadd.s32 s5, s2;
	s2 =	sadd.s32 s6, s2;
	s4 =	sadd.s32 s4, s5  }
0xe: {  	s6 =	ssub.s32 s7, s20;
	s21 =	sadd.s32 $0x1000, s8;
	[dreg:$0x7] =	wrdreg s4  }
0xf: {  	s25 =	simm.s32 $0x5;
	s22 =	smax.u32 s6, $0x1;
	[dreg:$0x6] =	wrdreg s21  }
0x10: {  	s7 =	smul.u32 $0x27100, s0;
	s23 =	sadd.s32 $0xAE00, s2;
	[dreg:$0x8] =	wrdreg s22  }
0x11: {  	s20 =	simm.s32 $0x1B700;
	s24 =	sadd.s32 $0x4ECE00, s2;
	[dreg:$0x9] =	wrdreg s23  }
0x12: {  	s2 =	simm.s32 $0x0;
	[dreg:$0xa] =	wrdreg s24;
	s21 =	simm.s32 $0x1  }
0x13: {  	s22 =	simm.s32 $0x2;
	s23 =	simm.s32 $0x3;
	s24 =	simm.s32 $0x4  }
.LBB2_1:
0x14: {  	s0 =	rddreg [dreg:$0x6];
	s4 =	simm.s32 $0xB  }
0x15: {  	[tilespmem:s3], [sflag:$0xB] =	stream.linear.gather [hbm4b:s0+s3], $0x2710, $0x38;
	[tilespmem:$0x1DF00] =	vst v63  }
0x16: {  	_ =	swait.ge [sflag:s4], $0x2710  }
0x17: {  	s5 =	simm.s32 $0x2780;
	[sflag:s4] =	ssyncset.done $0x0  }
0x18: {  	p0 =	por $0x1, $0x1;
	s10 =	rddreg [dreg:$0x7];
	[sflag:s4] =	ssyncadd.s32 $0xFFFFD8F0  }
0x19: {  	[tilespmem:s5], [sflag:$0xB] =	stream.linear.gather [hbm4b:s10+s3], $0x2710, $0x38;
	[tilespmem:$0x1DF00] =	vst v63  }
0x1a: {  	p0 =	por p0, p0;
	_ =	swait.ge [sflag:s4], $0x2710  }
0x1b: {  	s0 =	simm.s32 @p0 $0x0;
	[sflag:s4] =	ssyncset.done $0x0  }
0x1c: {  	s5 =	simm.s32 @p0 $0x4F00;
	[sflag:s4] =	ssyncadd.s32 $0xFFFFD8F0;
	s4 =	simm.s32 @p0 $0x50  }
0x1d: {  	[tilespmem:s5], [sflag:$0x1] =	stream.indirect.gather @p0 [hbm4b:s1+s4], $0x80, s0, s4, $0xb8;
	[tilespmem:$0x1DF00] =	vst v63  }
0x1e: {  	s6 =	simm.s32 @p0 $0x11700;
	s0 =	simm.s32 @!p0 $0x6;
	s5 =	simm.s32 @p0 $0x2780  }
0x1f: {  	[tilespmem:s6], [sflag:$0x1] =	stream.indirect.gather @p0 [hbm4b:s1+s4], $0x80, s5, s4, $0xb8;
	[tilespmem:$0x1DF00] =	vst v63  }
0x20: {  	_ =	swait.ge @!p0 [sflag:s0], $0x2800  }
0x21: {  	[sflag:s0] =	ssyncset.done @!p0 $0x0  }
0x22: {  	[sflag:s0] =	ssyncadd.s32 @!p0 $0xFFFFD800  }
0x23: {  	_ =	swait.ge @!p0 [sflag:s0], $0x2800  }
0x24: {  	s4 =	simm.s32 @!p0 $0x4F00;
	[sflag:s0] =	ssyncset.done @!p0 $0x0  }
0x25: {  	s5 =	simm.s32 @!p0 $0x50;
	[sflag:s0] =	ssyncadd.s32 @!p0 $0xFFFFD800;
	s0 =	simm.s32 @!p0 $0x0  }
0x26: {  	[tilespmem:s4], [sflag:$0x1] =	stream.indirect.gather @!p0 [hbm4b:s1+s5], $0x80, s0, s5, $0xb8;
	[tilespmem:$0x1DF00] =	vst v63  }
0x27: {  	s6 =	simm.s32 @!p0 $0x7;
	s0 =	simm.s32 @!p0 $0x2780;
	s4 =	simm.s32 @!p0 $0x11700  }
0x28: {  	[tilespmem:s4], [sflag:$0x1] =	stream.indirect.gather @!p0 [hbm4b:s1+s5], $0x80, s0, s5, $0xb8;
	[tilespmem:$0x1DF00] =	vst v63  }
0x29: {  	_ =	swait.ge @!p0 [sflag:s6], $0x2800  }
0x2a: {  	[sflag:s6] =	ssyncset.done @!p0 $0x0  }
0x2b: {  	[sflag:s6] =	ssyncadd.s32 @!p0 $0xFFFFD800  }
0x2c: {  	_ =	swait.ge @!p0 [sflag:s6], $0x2800  }
0x2d: {  	[sflag:s6] =	ssyncset.done @!p0 $0x0  }
0x2e: {  	s11 =	simm.s32 $0x50;
	[sflag:s6] =	ssyncadd.s32 @!p0 $0xFFFFD800  }
0x2f: {  	[tilespmem:s13], [sflag:$0x2] =	stream.indirect.gather [hbm4b:s1+s12], $0x80, s11, s12, $0xb8;
	[tilespmem:$0x1DF00] =	vst v63  }
0x30: {  	s26 =	simm.s32 $0x27D0;
	s4 =	simm.s32 @!p0 $0x8  }
0x31: {  	[tilespmem:s14], [sflag:$0x2] =	stream.indirect.gather [hbm4b:s1+s12], $0x80, s26, s12, $0xb8;
	[tilespmem:$0x1DF00] =	vst v63  }
0x32: {  	_ =	swait.ge @!p0 [sflag:s4], $0x2800  }
0x33: {  	[sflag:s4] =	ssyncset.done @!p0 $0x0  }
0x34: {  	[sflag:s4] =	ssyncadd.s32 @!p0 $0xFFFFD800  }
0x35: {  	_ =	swait.ge @!p0 [sflag:s4], $0x2800  }
0x36: {  	[sflag:s4] =	ssyncset.done @!p0 $0x0  }
0x37: {  	[sflag:s4] =	ssyncadd.s32 @!p0 $0xFFFFD800;
	s4 =	simm.s32 $0xA0  }
0x38: {  	[tilespmem:s15], [sflag:$0x3] =	stream.indirect.gather [hbm4b:s1+s12], $0x80, s4, s12, $0xb8;
	[tilespmem:$0x1DF00] =	vst v63  }
0x39: {  	s5 =	simm.s32 $0x2820;
	s4 =	simm.s32 @!p0 $0x9  }
0x3a: {  	[tilespmem:s16], [sflag:$0x3] =	stream.indirect.gather [hbm4b:s1+s12], $0x80, s5, s12, $0xb8;
	[tilespmem:$0x1DF00] =	vst v63  }
0x3b: {  	_ =	swait.ge @!p0 [sflag:s4], $0x2800  }
0x3c: {  	[sflag:s4] =	ssyncset.done @!p0 $0x0  }
0x3d: {  	[sflag:s4] =	ssyncadd.s32 @!p0 $0xFFFFD800  }
0x3e: {  	_ =	swait.ge @!p0 [sflag:s4], $0x2800  }
0x3f: {  	[sflag:s4] =	ssyncset.done @!p0 $0x0  }
0x40: {  	s6 =	simm.s32 $0xF0;
	[sflag:s4] =	ssyncadd.s32 @!p0 $0xFFFFD800  }
0x41: {  	[tilespmem:s17], [sflag:$0x4] =	stream.indirect.gather [hbm4b:s1+s12], $0x80, s6, s12, $0xb8;
	[tilespmem:$0x1DF00] =	vst v63  }
0x42: {  	s8 =	simm.s32 $0x2870;
	s4 =	simm.s32 @!p0 $0xA  }
0x43: {  	[tilespmem:s18], [sflag:$0x4] =	stream.indirect.gather [hbm4b:s1+s12], $0x80, s8, s12, $0xb8;
	[tilespmem:$0x1DF00] =	vst v63  }
0x44: {  	_ =	swait.ge @!p0 [sflag:s4], $0x2800  }
0x45: {  	[sflag:s4] =	ssyncset.done @!p0 $0x0  }
0x46: {  	[sflag:s4] =	ssyncadd.s32 @!p0 $0xFFFFD800  }
0x47: {  	_ =	swait.ge @!p0 [sflag:s4], $0x2800  }
0x48: {  	[sflag:s4] =	ssyncset.done @!p0 $0x0  }
0x49: {  	s9 =	simm.s32 $0x140;
	[sflag:s4] =	ssyncadd.s32 @!p0 $0xFFFFD800  }
0x4a: {  	[tilespmem:s19], [sflag:$0x5] =	stream.indirect.gather [hbm4b:s1+s12], $0x80, s9, s12, $0xb8;
	[tilespmem:$0x1DF00] =	vst v63  }
0x4b: {  	s10 =	simm.s32 $0x28C0  }
0x4c: {  	[tilespmem:s20], [sflag:$0x5] =	stream.indirect.gather [hbm4b:s1+s12], $0x80, s10, s12, $0xb8;
	[tilespmem:$0x1DF00] =	vst v63  }
0x4d: {  	_ =	swait.ge [sflag:s21], $0x2800  }
0x4e: {  	[sflag:s21] =	ssyncset.done $0x0  }
0x4f: {  	[sflag:s21] =	ssyncadd.s32 $0xFFFFD800  }
0x50: {  	_ =	swait.ge [sflag:s21], $0x2800  }
0x51: {  	s11 =	rddreg [dreg:$0x4]  }
0x52: {  	[sflag:s21] =	ssyncset.done $0x0;
	s9 =	rddreg [dreg:$0x9]  }
0x53: {  	s8 =	rddreg [dreg:$0xa];
	[sflag:s21] =	ssyncadd.s32 $0xFFFFD800;
	s5 =	sadd.s32 s9, s7  }
0x54: {  	[hbm4b:s5+s3] =	stream.linear.scatter [tilespmem:s11], [sflag:$0x6], $0x2800, $0x38;
	[tilespmem:$0x1DF00] =	vst v63  }
0x55: {  	s26 =	rddreg [dreg:$0x5];
	s6 =	sadd.s32 s8, s7  }
0x56: {  	[hbm4b:s6+s3] =	stream.linear.scatter [tilespmem:s26], [sflag:$0x6], $0x2800, $0x38;
	[tilespmem:$0x1DF00] =	vst v63  }
0x57: {  	_ =	swait.ge [sflag:s22], $0x2800  }
0x58: {  	[sflag:s22] =	ssyncset.done $0x0  }
0x59: {  	[sflag:s22] =	ssyncadd.s32 $0xFFFFD800  }
0x5a: {  	_ =	swait.ge [sflag:s22], $0x2800  }
0x5b: {  	[sflag:s22] =	ssyncset.done $0x0  }
0x5c: {  	s10 =	sadd.s32 $0x500, s5;
	[sflag:s22] =	ssyncadd.s32 $0xFFFFD800  }
0x5d: {  	[hbm4b:s10+s3] =	stream.linear.scatter [tilespmem:s13], [sflag:$0x7], $0x2800, $0x38;
	[tilespmem:$0x1DF00] =	vst v63  }
0x5e: {  	s11 =	sadd.s32 $0x500, s6  }
0x5f: {  	[hbm4b:s11+s3] =	stream.linear.scatter [tilespmem:s14], [sflag:$0x7], $0x2800, $0x38;
	[tilespmem:$0x1DF00] =	vst v63  }
0x60: {  	_ =	swait.ge [sflag:s23], $0x2800  }
0x61: {  	[sflag:s23] =	ssyncset.done $0x0  }
0x62: {  	[sflag:s23] =	ssyncadd.s32 $0xFFFFD800  }
0x63: {  	_ =	swait.ge [sflag:s23], $0x2800  }
0x64: {  	[sflag:s23] =	ssyncset.done $0x0  }
0x65: {  	s26 =	sadd.s32 $0xA00, s5;
	[sflag:s23] =	ssyncadd.s32 $0xFFFFD800  }
0x66: {  	[hbm4b:s26+s3] =	stream.linear.scatter [tilespmem:s15], [sflag:$0x8], $0x2800, $0x38;
	[tilespmem:$0x1DF00] =	vst v63  }
0x67: {  	s4 =	sadd.s32 $0xA00, s6  }
0x68: {  	[hbm4b:s4+s3] =	stream.linear.scatter [tilespmem:s16], [sflag:$0x8], $0x2800, $0x38;
	[tilespmem:$0x1DF00] =	vst v63  }
0x69: {  	_ =	swait.ge [sflag:s24], $0x2800  }
0x6a: {  	[sflag:s24] =	ssyncset.done $0x0  }
0x6b: {  	[sflag:s24] =	ssyncadd.s32 $0xFFFFD800  }
0x6c: {  	_ =	swait.ge [sflag:s24], $0x2800  }
0x6d: {  	[sflag:s24] =	ssyncset.done $0x0  }
0x6e: {  	s10 =	sadd.s32 $0xF00, s5;
	[sflag:s24] =	ssyncadd.s32 $0xFFFFD800  }
0x6f: {  	[hbm4b:s10+s3] =	stream.linear.scatter [tilespmem:s17], [sflag:$0x9], $0x2800, $0x38;
	[tilespmem:$0x1DF00] =	vst v63  }
0x70: {  	s11 =	sadd.s32 $0xF00, s6  }
0x71: {  	[hbm4b:s11+s3] =	stream.linear.scatter [tilespmem:s18], [sflag:$0x9], $0x2800, $0x38;
	[tilespmem:$0x1DF00] =	vst v63  }
0x72: {  	_ =	swait.ge [sflag:s25], $0x2800  }
0x73: {  	p6 =	por $0x0, $0x0;
	[sflag:s25] =	ssyncset.done $0x0  }
0x74: {  	p0 =	por p6, p6;
	s0 =	sadd.s32 $0x1900, s8;
	[sflag:s25] =	ssyncadd.s32 $0xFFFFD800  }
0x75: {  	s8 =	simm.s32 @!p0 $0x6;
	s6 =	sadd.s32 $0x1400, s6;
	_ =	swait.ge [sflag:s25], $0x2800  }
0x76: {  	s26 =	sadd.s32 $0x1400, s5;
	s5 =	simm.s32 $0xC80;
	[sflag:s25] =	ssyncset.done $0x0  }
0x77: {  	s4 =	simm.s32 $0x640;
	s11 =	sadd.s32 $0x1900, s9;
	[sflag:s25] =	ssyncadd.s32 $0xFFFFD800  }
0x78: {  	[hbm4b:s26+s3] =	stream.linear.scatter [tilespmem:s19], [sflag:$0xA], $0x2800, $0x38;
	[tilespmem:$0x1DF00] =	vst v63  }
.LBB2_2:
0x79: {  	[hbm4b:s6+s3] =	stream.linear.scatter [tilespmem:s20], [sflag:$0xA], $0x2800, $0x38;
	[tilespmem:$0x1DF00] =	vst v63  }
0x7a: {  	s6 =	sshra.s32 @p0 s4, $0x2;
	s9 =	simm.s32 @p0 $0x50;
	s10 =	simm.s32 @p0 $0x4F00  }
0x7b: {  	[tilespmem:s10], [sflag:$0x1] =	stream.indirect.gather @p0 [hbm4b:s1+s9], $0x80, s6, s9, $0xb8;
	[tilespmem:$0x1DF00] =	vst v63  }
0x7c: {  	s6 =	sadd.s32 @p0 $0x2780, s6;
	s10 =	simm.s32 @p0 $0x11700  }
0x7d: {  	[tilespmem:s10], [sflag:$0x1] =	stream.indirect.gather @p0 [hbm4b:s1+s9], $0x80, s6, s9, $0xb8;
	[tilespmem:$0x1DF00] =	vst v63  }
0x7e: {  	_ =	swait.ge @!p0 [sflag:s8], $0x2800  }
0x7f: {  	[sflag:s8] =	ssyncset.done @!p0 $0x0  }
0x80: {  	[sflag:s8] =	ssyncadd.s32 @!p0 $0xFFFFD800  }
0x81: {  	_ =	swait.ge @!p0 [sflag:s8], $0x2800  }
0x82: {  	s6 =	simm.s32 @!p0 $0x4F00;
	[sflag:s8] =	ssyncset.done @!p0 $0x0  }
0x83: {  	s10 =	simm.s32 @!p0 $0x50;
	[sflag:s8] =	ssyncadd.s32 @!p0 $0xFFFFD800;
	s8 =	sshra.s32 @!p0 s4, $0x2  }
0x84: {  	[tilespmem:s6], [sflag:$0x1] =	stream.indirect.gather @!p0 [hbm4b:s1+s10], $0x80, s8, s10, $0xb8;
	[tilespmem:$0x1DF00] =	vst v63  }
0x85: {  	s26 =	simm.s32 @!p0 $0x7;
	s6 =	sadd.s32 @!p0 $0x2780, s8;
	s8 =	simm.s32 @!p0 $0x11700  }
0x86: {  	[tilespmem:s8], [sflag:$0x1] =	stream.indirect.gather @!p0 [hbm4b:s1+s10], $0x80, s6, s10, $0xb8;
	[tilespmem:$0x1DF00] =	vst v63  }
0x87: {  	_ =	swait.ge @!p0 [sflag:s26], $0x2800  }
0x88: {  	[sflag:s26] =	ssyncset.done @!p0 $0x0  }
0x89: {  	[sflag:s26] =	ssyncadd.s32 @!p0 $0xFFFFD800  }
0x8a: {  	_ =	swait.ge @!p0 [sflag:s26], $0x2800  }
0x8b: {  	s6 =	sshra.s32 s4, $0x2;
	[sflag:s26] =	ssyncset.done @!p0 $0x0  }
0x8c: {  	s9 =	smov.u32 s5;
	s10 =	sadd.s32 $0x50, s6;
	[sflag:s26] =	ssyncadd.s32 @!p0 $0xFFFFD800  }
0x8d: {  	[tilespmem:s13], [sflag:$0x2] =	stream.indirect.gather [hbm4b:s1+s12], $0x80, s10, s12, $0xb8;
	[tilespmem:$0x1DF00] =	vst v63  }
0x8e: {  	s4 =	smov.u32 s9;
	s9 =	simm.s32 @!p0 $0x8;
	s26 =	sadd.s32 $0x27D0, s6  }
0x8f: {  	[tilespmem:s14], [sflag:$0x2] =	stream.indirect.gather [hbm4b:s1+s12], $0x80, s26, s12, $0xb8;
	[tilespmem:$0x1DF00] =	vst v63  }
0x90: {  	_ =	swait.ge @!p0 [sflag:s9], $0x2800  }
0x91: {  	[sflag:s9] =	ssyncset.done @!p0 $0x0  }
0x92: {  	[sflag:s9] =	ssyncadd.s32 @!p0 $0xFFFFD800  }
0x93: {  	_ =	swait.ge @!p0 [sflag:s9], $0x2800  }
0x94: {  	[sflag:s9] =	ssyncset.done @!p0 $0x0  }
0x95: {  	s10 =	sadd.s32 $0xA0, s6;
	[sflag:s9] =	ssyncadd.s32 @!p0 $0xFFFFD800  }
0x96: {  	[tilespmem:s15], [sflag:$0x3] =	stream.indirect.gather [hbm4b:s1+s12], $0x80, s10, s12, $0xb8;
	[tilespmem:$0x1DF00] =	vst v63  }
0x97: {  	s26 =	sadd.s32 $0x2820, s6;
	s9 =	simm.s32 @!p0 $0x9  }
0x98: {  	[tilespmem:s16], [sflag:$0x3] =	stream.indirect.gather [hbm4b:s1+s12], $0x80, s26, s12, $0xb8;
	[tilespmem:$0x1DF00] =	vst v63  }
0x99: {  	_ =	swait.ge @!p0 [sflag:s9], $0x2800  }
0x9a: {  	[sflag:s9] =	ssyncset.done @!p0 $0x0  }
0x9b: {  	[sflag:s9] =	ssyncadd.s32 @!p0 $0xFFFFD800  }
0x9c: {  	_ =	swait.ge @!p0 [sflag:s9], $0x2800  }
0x9d: {  	[sflag:s9] =	ssyncset.done @!p0 $0x0  }
0x9e: {  	s10 =	sadd.s32 $0xF0, s6;
	[sflag:s9] =	ssyncadd.s32 @!p0 $0xFFFFD800  }
0x9f: {  	[tilespmem:s17], [sflag:$0x4] =	stream.indirect.gather [hbm4b:s1+s12], $0x80, s10, s12, $0xb8;
	[tilespmem:$0x1DF00] =	vst v63  }
0xa0: {  	s26 =	sadd.s32 $0x2870, s6;
	s9 =	simm.s32 @!p0 $0xA  }
0xa1: {  	[tilespmem:s18], [sflag:$0x4] =	stream.indirect.gather [hbm4b:s1+s12], $0x80, s26, s12, $0xb8;
	[tilespmem:$0x1DF00] =	vst v63  }
0xa2: {  	_ =	swait.ge @!p0 [sflag:s9], $0x2800  }
0xa3: {  	[sflag:s9] =	ssyncset.done @!p0 $0x0  }
0xa4: {  	[sflag:s9] =	ssyncadd.s32 @!p0 $0xFFFFD800  }
0xa5: {  	_ =	swait.ge @!p0 [sflag:s9], $0x2800  }
0xa6: {  	[sflag:s9] =	ssyncset.done @!p0 $0x0  }
0xa7: {  	[sflag:s9] =	ssyncadd.s32 @!p0 $0xFFFFD800;
	s9 =	sadd.s32 $0x140, s6  }
0xa8: {  	[tilespmem:s19], [sflag:$0x5] =	stream.indirect.gather [hbm4b:s1+s12], $0x80, s9, s12, $0xb8;
	[tilespmem:$0x1DF00] =	vst v63  }
0xa9: {  	s6 =	sadd.s32 $0x28C0, s6  }
0xaa: {  	[tilespmem:s20], [sflag:$0x5] =	stream.indirect.gather [hbm4b:s1+s12], $0x80, s6, s12, $0xb8;
	[tilespmem:$0x1DF00] =	vst v63  }
0xab: {  	_ =	swait.ge [sflag:s21], $0x2800  }
0xac: {  	[sflag:s21] =	ssyncset.done $0x0  }
0xad: {  	[sflag:s21] =	ssyncadd.s32 $0xFFFFD800  }
0xae: {  	_ =	swait.ge [sflag:s21], $0x2800  }
0xaf: {  	[sflag:s21] =	ssyncset.done $0x0  }
0xb0: {  	s8 =	sadd.s32 s11, s7;
	s10 =	rddreg [dreg:$0x4];
	[sflag:s21] =	ssyncadd.s32 $0xFFFFD800  }
0xb1: {  	[hbm4b:s8+s3] =	stream.linear.scatter [tilespmem:s10], [sflag:$0x6], $0x2800, $0x38;
	[tilespmem:$0x1DF00] =	vst v63  }
0xb2: {  	s6 =	sadd.s32 s0, s7;
	s26 =	rddreg [dreg:$0x5]  }
0xb3: {  	[hbm4b:s6+s3] =	stream.linear.scatter [tilespmem:s26], [sflag:$0x6], $0x2800, $0x38;
	[tilespmem:$0x1DF00] =	vst v63  }
0xb4: {  	_ =	swait.ge [sflag:s22], $0x2800  }
0xb5: {  	[sflag:s22] =	ssyncset.done $0x0  }
0xb6: {  	[sflag:s22] =	ssyncadd.s32 $0xFFFFD800  }
0xb7: {  	_ =	swait.ge [sflag:s22], $0x2800  }
0xb8: {  	[sflag:s22] =	ssyncset.done $0x0  }
0xb9: {  	s10 =	sadd.s32 $0x500, s8;
	[sflag:s22] =	ssyncadd.s32 $0xFFFFD800  }
0xba: {  	[hbm4b:s10+s3] =	stream.linear.scatter [tilespmem:s13], [sflag:$0x7], $0x2800, $0x38;
	[tilespmem:$0x1DF00] =	vst v63  }
0xbb: {  	s26 =	sadd.s32 $0x500, s6  }
0xbc: {  	[hbm4b:s26+s3] =	stream.linear.scatter [tilespmem:s14], [sflag:$0x7], $0x2800, $0x38;
	[tilespmem:$0x1DF00] =	vst v63  }
0xbd: {  	_ =	swait.ge [sflag:s23], $0x2800  }
0xbe: {  	[sflag:s23] =	ssyncset.done $0x0  }
0xbf: {  	[sflag:s23] =	ssyncadd.s32 $0xFFFFD800  }
0xc0: {  	_ =	swait.ge [sflag:s23], $0x2800  }
0xc1: {  	[sflag:s23] =	ssyncset.done $0x0  }
0xc2: {  	s10 =	sadd.s32 $0xA00, s8;
	[sflag:s23] =	ssyncadd.s32 $0xFFFFD800  }
0xc3: {  	[hbm4b:s10+s3] =	stream.linear.scatter [tilespmem:s15], [sflag:$0x8], $0x2800, $0x38;
	[tilespmem:$0x1DF00] =	vst v63  }
0xc4: {  	s26 =	sadd.s32 $0xA00, s6  }
0xc5: {  	[hbm4b:s26+s3] =	stream.linear.scatter [tilespmem:s16], [sflag:$0x8], $0x2800, $0x38;
	[tilespmem:$0x1DF00] =	vst v63  }
0xc6: {  	_ =	swait.ge [sflag:s24], $0x2800  }
0xc7: {  	[sflag:s24] =	ssyncset.done $0x0  }
0xc8: {  	[sflag:s24] =	ssyncadd.s32 $0xFFFFD800  }
0xc9: {  	_ =	swait.ge [sflag:s24], $0x2800  }
0xca: {  	[sflag:s24] =	ssyncset.done $0x0  }
0xcb: {  	s10 =	sadd.s32 $0xF00, s8;
	[sflag:s24] =	ssyncadd.s32 $0xFFFFD800  }
0xcc: {  	[hbm4b:s10+s3] =	stream.linear.scatter [tilespmem:s17], [sflag:$0x9], $0x2800, $0x38;
	[tilespmem:$0x1DF00] =	vst v63  }
0xcd: {  	s26 =	sadd.s32 $0xF00, s6  }
0xce: {  	[hbm4b:s26+s3] =	stream.linear.scatter [tilespmem:s18], [sflag:$0x9], $0x2800, $0x38;
	[tilespmem:$0x1DF00] =	vst v63  }
0xcf: {  	_ =	swait.ge [sflag:s25], $0x2800  }
0xd0: {  	p2 =	seq.s32 s5, $0x0;
	s5 =	sadd.s32 $0x640, s5;
	[sflag:s25] =	ssyncset.done $0x0  }
0xd1: {  	p1 =	sne.s32 s5, $0x9C40;
	[sflag:s25] =	ssyncadd.s32 $0xFFFFD800  }
.Ltmp0:
0xd2: {  	_ =	swait.ge [sflag:s25], $0x2800;
	(pc) =	sbr.rel @p1 .LBB2_2-.Ltmp0, $4  }
0xd3: {  	s11 =	sadd.s32 $0x1900, s11;
	[sflag:s25] =	ssyncset.done $0x0  }
0xd4: {  	p0 =	por p2, p2;
	s8 =	sadd.s32 $0x1400, s8;
	[sflag:s25] =	ssyncadd.s32 $0xFFFFD800  }
0xd5: {  	[hbm4b:s8+s3] =	stream.linear.scatter [tilespmem:s19], [sflag:$0xA], $0x2800, $0x38;
	[tilespmem:$0x1DF00] =	vst v63  }
0xd6: {  	s0 =	sadd.s32 $0x1900, s0;
	s6 =	sadd.s32 $0x1400, s6;
	s8 =	simm.s32 @!p0 $0x6  }
0xd7: {  	[hbm4b:s6+s3] =	stream.linear.scatter [tilespmem:s20], [sflag:$0xA], $0x2800, $0x38;
	[tilespmem:$0x1DF00] =	vst v63  }
0xd8: {  	s5 =	sshra.s32 @p0 s4, $0x2;
	s6 =	simm.s32 @p0 $0x50;
	s9 =	simm.s32 @p0 $0x4F00  }
0xd9: {  	[tilespmem:s9], [sflag:$0x1] =	stream.indirect.gather @p0 [hbm4b:s1+s6], $0x80, s5, s6, $0xb8;
	[tilespmem:$0x1DF00] =	vst v63  }
0xda: {  	s5 =	sadd.s32 @p0 $0x2780, s5;
	s9 =	simm.s32 @p0 $0x11700  }
0xdb: {  	[tilespmem:s9], [sflag:$0x1] =	stream.indirect.gather @p0 [hbm4b:s1+s6], $0x80, s5, s6, $0xb8;
	[tilespmem:$0x1DF00] =	vst v63  }
0xdc: {  	_ =	swait.ge @!p0 [sflag:s8], $0x2800  }
0xdd: {  	[sflag:s8] =	ssyncset.done @!p0 $0x0  }
0xde: {  	[sflag:s8] =	ssyncadd.s32 @!p0 $0xFFFFD800  }
0xdf: {  	_ =	swait.ge @!p0 [sflag:s8], $0x2800  }
0xe0: {  	s5 =	simm.s32 @!p0 $0x4F00;
	[sflag:s8] =	ssyncset.done @!p0 $0x0  }
0xe1: {  	s6 =	sshra.s32 @!p0 s4, $0x2;
	[sflag:s8] =	ssyncadd.s32 @!p0 $0xFFFFD800;
	s8 =	simm.s32 @!p0 $0x50  }
0xe2: {  	[tilespmem:s5], [sflag:$0x1] =	stream.indirect.gather @!p0 [hbm4b:s1+s8], $0x80, s6, s8, $0xb8;
	[tilespmem:$0x1DF00] =	vst v63  }
0xe3: {  	s5 =	sadd.s32 @!p0 $0x2780, s6;
	s6 =	simm.s32 @!p0 $0x11700  }
0xe4: {  	[tilespmem:s6], [sflag:$0x1] =	stream.indirect.gather @!p0 [hbm4b:s1+s8], $0x80, s5, s8, $0xb8;
	[tilespmem:$0x1DF00] =	vst v63  }
0xe5: {  	s5 =	simm.s32 @!p0 $0x7  }
0xe6: {  	_ =	swait.ge @!p0 [sflag:s5], $0x2800  }
0xe7: {  	[sflag:s5] =	ssyncset.done @!p0 $0x0  }
0xe8: {  	[sflag:s5] =	ssyncadd.s32 @!p0 $0xFFFFD800  }
0xe9: {  	_ =	swait.ge @!p0 [sflag:s5], $0x2800  }
0xea: {  	s4 =	sshra.s32 s4, $0x2;
	[sflag:s5] =	ssyncset.done @!p0 $0x0  }
0xeb: {  	s26 =	sadd.s32 $0x50, s4;
	[sflag:s5] =	ssyncadd.s32 @!p0 $0xFFFFD800  }
0xec: {  	[tilespmem:s13], [sflag:$0x2] =	stream.indirect.gather [hbm4b:s1+s12], $0x80, s26, s12, $0xb8;
	[tilespmem:$0x1DF00] =	vst v63  }
0xed: {  	s6 =	sadd.s32 $0x27D0, s4;
	s5 =	simm.s32 @!p0 $0x8  }
0xee: {  	[tilespmem:s14], [sflag:$0x2] =	stream.indirect.gather [hbm4b:s1+s12], $0x80, s6, s12, $0xb8;
	[tilespmem:$0x1DF00] =	vst v63  }
0xef: {  	_ =	swait.ge @!p0 [sflag:s5], $0x2800  }
0xf0: {  	[sflag:s5] =	ssyncset.done @!p0 $0x0  }
0xf1: {  	[sflag:s5] =	ssyncadd.s32 @!p0 $0xFFFFD800  }
0xf2: {  	_ =	swait.ge @!p0 [sflag:s5], $0x2800  }
0xf3: {  	[sflag:s5] =	ssyncset.done @!p0 $0x0  }
0xf4: {  	s8 =	sadd.s32 $0xA0, s4;
	[sflag:s5] =	ssyncadd.s32 @!p0 $0xFFFFD800  }
0xf5: {  	[tilespmem:s15], [sflag:$0x3] =	stream.indirect.gather [hbm4b:s1+s12], $0x80, s8, s12, $0xb8;
	[tilespmem:$0x1DF00] =	vst v63  }
0xf6: {  	s9 =	sadd.s32 $0x2820, s4;
	s5 =	simm.s32 @!p0 $0x9  }
0xf7: {  	[tilespmem:s16], [sflag:$0x3] =	stream.indirect.gather [hbm4b:s1+s12], $0x80, s9, s12, $0xb8;
	[tilespmem:$0x1DF00] =	vst v63  }
0xf8: {  	_ =	swait.ge @!p0 [sflag:s5], $0x2800  }
0xf9: {  	[sflag:s5] =	ssyncset.done @!p0 $0x0  }
0xfa: {  	[sflag:s5] =	ssyncadd.s32 @!p0 $0xFFFFD800  }
0xfb: {  	_ =	swait.ge @!p0 [sflag:s5], $0x2800  }
0xfc: {  	[sflag:s5] =	ssyncset.done @!p0 $0x0  }
0xfd: {  	s10 =	sadd.s32 $0xF0, s4;
	[sflag:s5] =	ssyncadd.s32 @!p0 $0xFFFFD800  }
0xfe: {  	[tilespmem:s17], [sflag:$0x4] =	stream.indirect.gather [hbm4b:s1+s12], $0x80, s10, s12, $0xb8;
	[tilespmem:$0x1DF00] =	vst v63  }
0xff: {  	s26 =	sadd.s32 $0x2870, s4;
	s5 =	simm.s32 @!p0 $0xA  }
0x100: {  	[tilespmem:s18], [sflag:$0x4] =	stream.indirect.gather [hbm4b:s1+s12], $0x80, s26, s12, $0xb8;
	[tilespmem:$0x1DF00] =	vst v63  }
0x101: {  	_ =	swait.ge @!p0 [sflag:s5], $0x2800  }
0x102: {  	[sflag:s5] =	ssyncset.done @!p0 $0x0  }
0x103: {  	[sflag:s5] =	ssyncadd.s32 @!p0 $0xFFFFD800  }
0x104: {  	_ =	swait.ge @!p0 [sflag:s5], $0x2800  }
0x105: {  	[sflag:s5] =	ssyncset.done @!p0 $0x0  }
0x106: {  	s6 =	sadd.s32 $0x140, s4;
	[sflag:s5] =	ssyncadd.s32 @!p0 $0xFFFFD800  }
0x107: {  	[tilespmem:s19], [sflag:$0x5] =	stream.indirect.gather [hbm4b:s1+s12], $0x80, s6, s12, $0xb8;
	[tilespmem:$0x1DF00] =	vst v63  }
0x108: {  	s4 =	sadd.s32 $0x28C0, s4  }
0x109: {  	[tilespmem:s20], [sflag:$0x5] =	stream.indirect.gather [hbm4b:s1+s12], $0x80, s4, s12, $0xb8;
	[tilespmem:$0x1DF00] =	vst v63  }
0x10a: {  	_ =	swait.ge [sflag:s21], $0x2800  }
0x10b: {  	[sflag:s21] =	ssyncset.done $0x0  }
0x10c: {  	[sflag:s21] =	ssyncadd.s32 $0xFFFFD800  }
0x10d: {  	_ =	swait.ge [sflag:s21], $0x2800  }
0x10e: {  	[sflag:s21] =	ssyncset.done $0x0  }
0x10f: {  	s5 =	sadd.s32 s11, s7;
	s8 =	rddreg [dreg:$0x4];
	[sflag:s21] =	ssyncadd.s32 $0xFFFFD800  }
0x110: {  	[hbm4b:s5+s3] =	stream.linear.scatter [tilespmem:s8], [sflag:$0x6], $0x2800, $0x38;
	[tilespmem:$0x1DF00] =	vst v63  }
0x111: {  	s0 =	sadd.s32 s0, s7;
	s9 =	rddreg [dreg:$0x5]  }
0x112: {  	[hbm4b:s0+s3] =	stream.linear.scatter [tilespmem:s9], [sflag:$0x6], $0x2800, $0x38;
	[tilespmem:$0x1DF00] =	vst v63  }
0x113: {  	_ =	swait.ge [sflag:s22], $0x2800  }
0x114: {  	[sflag:s22] =	ssyncset.done $0x0  }
0x115: {  	[sflag:s22] =	ssyncadd.s32 $0xFFFFD800  }
0x116: {  	_ =	swait.ge [sflag:s22], $0x2800  }
0x117: {  	[sflag:s22] =	ssyncset.done $0x0  }
0x118: {  	s10 =	sadd.s32 $0x500, s5;
	[sflag:s22] =	ssyncadd.s32 $0xFFFFD800  }
0x119: {  	[hbm4b:s10+s3] =	stream.linear.scatter [tilespmem:s13], [sflag:$0x7], $0x2800, $0x38;
	[tilespmem:$0x1DF00] =	vst v63  }
0x11a: {  	s11 =	sadd.s32 $0x500, s0  }
0x11b: {  	[hbm4b:s11+s3] =	stream.linear.scatter [tilespmem:s14], [sflag:$0x7], $0x2800, $0x38;
	[tilespmem:$0x1DF00] =	vst v63  }
0x11c: {  	_ =	swait.ge [sflag:s23], $0x2800  }
0x11d: {  	[sflag:s23] =	ssyncset.done $0x0  }
0x11e: {  	[sflag:s23] =	ssyncadd.s32 $0xFFFFD800  }
0x11f: {  	_ =	swait.ge [sflag:s23], $0x2800  }
0x120: {  	[sflag:s23] =	ssyncset.done $0x0  }
0x121: {  	s26 =	sadd.s32 $0xA00, s5;
	[sflag:s23] =	ssyncadd.s32 $0xFFFFD800  }
0x122: {  	[hbm4b:s26+s3] =	stream.linear.scatter [tilespmem:s15], [sflag:$0x8], $0x2800, $0x38;
	[tilespmem:$0x1DF00] =	vst v63  }
0x123: {  	s6 =	sadd.s32 $0xA00, s0  }
0x124: {  	[hbm4b:s6+s3] =	stream.linear.scatter [tilespmem:s16], [sflag:$0x8], $0x2800, $0x38;
	[tilespmem:$0x1DF00] =	vst v63  }
0x125: {  	_ =	swait.ge [sflag:s24], $0x2800  }
0x126: {  	[sflag:s24] =	ssyncset.done $0x0  }
0x127: {  	[sflag:s24] =	ssyncadd.s32 $0xFFFFD800  }
0x128: {  	_ =	swait.ge [sflag:s24], $0x2800  }
0x129: {  	[sflag:s24] =	ssyncset.done $0x0  }
0x12a: {  	s8 =	sadd.s32 $0xF00, s5;
	[sflag:s24] =	ssyncadd.s32 $0xFFFFD800  }
0x12b: {  	[hbm4b:s8+s3] =	stream.linear.scatter [tilespmem:s17], [sflag:$0x9], $0x2800, $0x38;
	[tilespmem:$0x1DF00] =	vst v63  }
0x12c: {  	s9 =	sadd.s32 $0xF00, s0  }
0x12d: {  	[hbm4b:s9+s3] =	stream.linear.scatter [tilespmem:s18], [sflag:$0x9], $0x2800, $0x38;
	[tilespmem:$0x1DF00] =	vst v63  }
0x12e: {  	_ =	swait.ge [sflag:s25], $0x2800  }
0x12f: {  	[sflag:s25] =	ssyncset.done $0x0  }
0x130: {  	[sflag:s25] =	ssyncadd.s32 $0xFFFFD800  }
0x131: {  	_ =	swait.ge [sflag:s25], $0x2800  }
0x132: {  	[sflag:s25] =	ssyncset.done $0x0  }
0x133: {  	s10 =	sadd.s32 $0x1400, s5;
	[sflag:s25] =	ssyncadd.s32 $0xFFFFD800  }
0x134: {  	[hbm4b:s10+s3] =	stream.linear.scatter [tilespmem:s19], [sflag:$0xA], $0x2800, $0x38;
	[tilespmem:$0x1DF00] =	vst v63  }
0x135: {  	s0 =	sadd.s32 $0x1400, s0;
	s11 =	simm.s32 $0x6  }
0x136: {  	[hbm4b:s0+s3] =	stream.linear.scatter [tilespmem:s20], [sflag:$0xA], $0x2800, $0x38;
	[tilespmem:$0x1DF00] =	vst v63  }
0x137: {  	_ =	swait.ge [sflag:s11], $0x2800  }
0x138: {  	[sflag:s11] =	ssyncset.done $0x0  }
0x139: {  	[sflag:s11] =	ssyncadd.s32 $0xFFFFD800  }
0x13a: {  	_ =	swait.ge [sflag:s11], $0x2800  }
0x13b: {  	[sflag:s11] =	ssyncset.done $0x0  }
0x13c: {  	[sflag:s11] =	ssyncadd.s32 $0xFFFFD800  }
0x13d: {  	_ =	swait.ge [sflag:s28], $0x2800  }
0x13e: {  	[sflag:s28] =	ssyncset.done $0x0  }
0x13f: {  	[sflag:s28] =	ssyncadd.s32 $0xFFFFD800  }
0x140: {  	_ =	swait.ge [sflag:s28], $0x2800  }
0x141: {  	[sflag:s28] =	ssyncset.done $0x0  }
0x142: {  	[sflag:s28] =	ssyncadd.s32 $0xFFFFD800  }
0x143: {  	_ =	swait.ge [sflag:s29], $0x2800  }
0x144: {  	[sflag:s29] =	ssyncset.done $0x0  }
0x145: {  	[sflag:s29] =	ssyncadd.s32 $0xFFFFD800  }
0x146: {  	_ =	swait.ge [sflag:s29], $0x2800  }
0x147: {  	[sflag:s29] =	ssyncset.done $0x0  }
0x148: {  	[sflag:s29] =	ssyncadd.s32 $0xFFFFD800  }
0x149: {  	_ =	swait.ge [sflag:s30], $0x2800  }
0x14a: {  	[sflag:s30] =	ssyncset.done $0x0  }
0x14b: {  	[sflag:s30] =	ssyncadd.s32 $0xFFFFD800  }
0x14c: {  	_ =	swait.ge [sflag:s30], $0x2800  }
0x14d: {  	[sflag:s30] =	ssyncset.done $0x0  }
0x14e: {  	[sflag:s30] =	ssyncadd.s32 $0xFFFFD800  }
0x14f: {  	_ =	swait.ge [sflag:s31], $0x2800  }
0x150: {  	[sflag:s31] =	ssyncset.done $0x0  }
0x151: {  	[sflag:s31] =	ssyncadd.s32 $0xFFFFD800  }
0x152: {  	_ =	swait.ge [sflag:s31], $0x2800  }
0x153: {  	s2 =	sadd.s32 $0x1, s2;
	s26 =	rddreg [dreg:$0x8]  }
0x154: {  	p0 =	sne.s32 s2, s26  }
.Ltmp1:
0x155: {  	_ = 	snop;
	(pc) =	sbr.rel @p0 .LBB2_1-.Ltmp1, $3  }
0x156: {  	_ =	sdelay $0x1  }
0x157: {  	[sflag:s31] =	ssyncset.done $0x0  }
0x158: {  	[sflag:s31] =	ssyncadd.s32 $0xFFFFD800  }
0x159: {  	_ =	sfence.sel $0x180000  }
0x15a: {  	[bflag:$0x0] =	sbarrier.arrive $0xFFFF  }
0x15b: {  	_ =	strace $0x90000047  }
0x15c: {  	s0 =	stileid.u32;
	[bflag:$0x2] =	sbarrier.arrive $0xFFFF  }
0x15d: {  	p0 =	sne.s32 s0, $0x0;
	s0 =	rddreg [dreg:$0x3]  }
0x15e: {  	s0 =	sadd.s32 @!p0 $0x100000, s0  }
0x15f: {  	[sflag:s0] =	ssyncadd.tile.s32 @!p0 $0x1;
	_ =	shalt  }
.Lfunc_end2:
_tile_overlayer_lowered:
.L_overlay_start_2:
0x160: {  	(tag) =	ssettag $0x2  }
0x161: {  	s0 =	rddreg [dreg:$0x0];
	s2 =	stileid.u32  }
0x162: {  	s1 =	rddreg [dreg:$0x1];
	p0 =	sne.s32 s2, $0x0  }
0x163: {  	s3 =	rddreg [dreg:$0x2];
	[bflag:$0x3] =	sbarrier.arrive $0xFFFF;
	s2 =	simm.s32 @!p0 $0x1C0B  }
0x164: {  	[timem:s3], [sflag:s2] =	dma.local @!p0 [hbm:s0], s1  }
0x165: {  	s0 =	simm.s32 @!p0 $0xB  }
0x166: {  	_ =	swait.ge @!p0 [sflag:s0], s1  }
0x167: {  	s1 =	ssub.s32 @!p0 $0x0, s1;
	[sflag:s0] =	ssyncset.done @!p0 $0x0  }
0x168: {  	[sflag:s0] =	ssyncadd.s32 @!p0 s1  }
0x169: {  	[bflag:$0x3] =	sbarrier.arrive $0xFFFF  }
0x16a: {  	_ =	shalt  }

</sc_bundles>
